<compile_context>
chip_gen: v7x
topology: tpu7x:2x2x1
jax: 0.10.2.dev20260603
libtpu: 0.0.44.dev20260713+nightly
codegen_flags: <defaults>
</compile_context>

<pallas_src>
import functools

import jax
import jax.numpy as jnp
from jax import lax
from jax.experimental import pallas as pl
from jax.experimental.pallas import tpu as pltpu
from jax.experimental.pallas import tpu_sc as plsc

L = 16
NC = 2
NS = 16
NW = NC * NS
G = 128
NG = 2
CH = G * NG
D = 128
NROWS = 42


def _make_sc_lookup(B: int):
    per_w = B // NW
    n_chunks = per_w // CH
    mesh = plsc.VectorSubcoreMesh(core_axis_name="c", subcore_axis_name="s")

    @functools.partial(
        pl.kernel,
        mesh=mesh,
        out_type=jax.ShapeDtypeStruct((B, D), jnp.float32),
        scratch_types=[
            pltpu.VMEM_SHARED((NROWS, D), jnp.float32),
            pltpu.VMEM((2, CH), jnp.int32),
            pltpu.VMEM((2, CH), jnp.int32),
            pltpu.VMEM((2, CH), jnp.int32),
            pltpu.VMEM((2, NG, G), jnp.int32),
            pltpu.VMEM((2, CH, D), jnp.float32),
            pltpu.SemaphoreType.DMA,
            pltpu.SemaphoreType.DMA,
            pltpu.SemaphoreType.DMA,
            pltpu.SemaphoreType.DMA,
            pltpu.SemaphoreType.DMA,
        ],
    )
    def lookup(table_hbm, p_hbm, t_hbm, s_hbm, out_hbm,
               table_sh, p_v, t_v, s_v, idx_v, rows_v,
               sem_a, sem_g0, sem_g1, sem_s0, sem_s1):
        cid = lax.axis_index("c")
        sid = lax.axis_index("s")
        wid = sid * NC + cid
        w_base = wid * per_w
        sem_g = (sem_g0, sem_g1)
        sem_s = (sem_s0, sem_s1)

        @pl.when(sid == 0)
        def _stage():
            pltpu.sync_copy(table_hbm, table_sh)

        plsc.subcore_barrier()

        def load_a(g, b):
            base = w_base + g * CH
            pltpu.async_copy(p_hbm.at[pl.ds(base, CH)], p_v.at[b], sem_a)
            pltpu.async_copy(t_hbm.at[pl.ds(base, CH)], t_v.at[b], sem_a)
            pltpu.async_copy(s_hbm.at[pl.ds(base, CH)], s_v.at[b], sem_a)

        def wait_a(b):
            for ref in (p_v, t_v, s_v):
                pltpu.make_async_copy(
                    p_hbm.at[pl.ds(0, CH)], ref.at[b], sem_a).wait()

        def gather(b):
            for j in range(NG):
                pltpu.async_copy(
                    table_sh.at[idx_v.at[b, j]],
                    rows_v.at[b, pl.ds(j * G, G)], sem_g[b])

        def wait_gather(b):
            for j in range(NG):
                pltpu.make_async_copy(
                    table_sh.at[idx_v.at[b, j]],
                    rows_v.at[b, pl.ds(j * G, G)], sem_g[b]).wait()

        load_a(0, 0)

        def outer(go, _):
            for b in range(2):
                g = go * 2 + b
                wait_a(b)

                @pl.when(g + 1 < n_chunks)
                def _prefetch():
                    load_a(g + 1, 1 - b)

                pb, tb, sb = p_v.at[b], t_v.at[b], s_v.at[b]

                for j in range(NG):
                    ib = idx_v.at[b, j]

                    def vec_body(i, _):
                        src = pl.ds(j * G + i * L, L)
                        dst = pl.ds(i * L, L)
                        pi = jnp.clip(pb[src], 0, 2)
                        ti = jnp.clip(tb[src], 0, 6)
                        si = jnp.clip(sb[src], 0, 1)
                        ib[dst] = pi * 14 + ti * 2 + si
                        return 0

                    lax.fori_loop(0, G // L, vec_body, 0)

                @pl.when(g >= 2)
                def _reuse():
                    pltpu.make_async_copy(
                        rows_v.at[b], out_hbm.at[pl.ds(0, CH)], sem_s[b]).wait()

                gather(b)

                @pl.when(g >= 1)
                def _store_prev():
                    wait_gather(1 - b)
                    pltpu.async_copy(
                        rows_v.at[1 - b],
                        out_hbm.at[pl.ds(w_base + (g - 1) * CH, CH)],
                        sem_s[1 - b])
            return 0

        lax.fori_loop(0, n_chunks // 2, outer, 0)

        b_last = (n_chunks - 1) % 2
        wait_gather(b_last)
        pltpu.async_copy(
            rows_v.at[b_last],
            out_hbm.at[pl.ds(w_base + (n_chunks - 1) * CH, CH)],
            sem_s[b_last])
        pltpu.make_async_copy(
            rows_v.at[0], out_hbm.at[pl.ds(0, CH)], sem_s0).wait()
        pltpu.make_async_copy(
            rows_v.at[1], out_hbm.at[pl.ds(0, CH)], sem_s1).wait()

    return lookup


def kernel(action, W_power, W_turn, W_shoot):
    Bdim, Tdim, _ = action.shape
    B = Bdim * Tdim

    tp = jnp.broadcast_to(W_power[:, None, None, :], (3, 7, 2, 32))
    tt = jnp.broadcast_to(W_turn[None, :, None, :], (3, 7, 2, 64))
    ts = jnp.broadcast_to(W_shoot[None, None, :, :], (3, 7, 2, 32))
    table = jnp.concatenate([tp, tt, ts], axis=-1).reshape(NROWS, D)

    a32 = action.reshape(B, 3).astype(jnp.int32)
    p = a32[:, 0]
    t = a32[:, 1]
    s = a32[:, 2]

    out = _make_sc_lookup(B)(table, p, t, s)
    return out.reshape(Bdim, Tdim, D)

# --- scband reference (transcript-rebuilt; emitter-appended) ---
"""Pipeline reference for scband-action-encoder-34437047779445 (READ-ONLY COPY).

The authoritative reference and input builder live on the scoring server;
editing this copy changes nothing except your own understanding.
"""

import jax, jax.numpy as jnp
import numpy as np

def setup_inputs(seed: int = 0) -> dict:
    key = jax.random.key(seed)
    k1, k2, k3, k4 = jax.random.split(key, 4)
    action = jax.random.randint(k1, (4096, 200, 3), 0, 2, dtype=jnp.int64)
    W_power = jax.random.normal(k2, (3, 32), dtype=jnp.float32)
    W_turn = jax.random.normal(k3, (7, 64), dtype=jnp.float32)
    W_shoot = jax.random.normal(k4, (2, 32), dtype=jnp.float32)
    return {"action": action, "W_power": W_power, "W_turn": W_turn, "W_shoot": W_shoot}

def reference(action, W_power, W_turn, W_shoot):
    p_idx = jnp.clip(action[..., 0].astype(jnp.int32), 0, 2)
    t_idx = jnp.clip(action[..., 1].astype(jnp.int32), 0, 6)
    s_idx = jnp.clip(action[..., 2].astype(jnp.int32), 0, 1)
    p = jnp.take(W_power, p_idx, axis=0)
    t = jnp.take(W_turn, t_idx, axis=0)
    s = jnp.take(W_shoot, s_idx, axis=0)
    return jnp.concatenate([p, t, s], axis=-1)

if __name__ == "__main__":
    import jax
    _d = setup_inputs()
    print(jax.jit(kernel)(*tuple(_d.values())))

</pallas_src>

<mosaic_0001>
#map = affine_map<(d0, d1) -> (0, 0)>
#map1 = affine_map<(d0, d1) -> (0)>
module attributes {stable_mosaic.version = 14 : i64} {
  func.func @lookup(%arg0: i32, %arg1: i32, %arg2: memref<42x128xf32, #tpu.memory_space<hbm>>, %arg3: memref<819200xi32, #tpu.memory_space<hbm>>, %arg4: memref<819200xi32, #tpu.memory_space<hbm>>, %arg5: memref<819200xi32, #tpu.memory_space<hbm>>, %arg6: memref<819200x128xf32, #tpu.memory_space<hbm>>, %arg7: memref<42x128xf32, #tpu.memory_space<vmem_shared>>, %arg8: memref<2x256xi32, #tpu.memory_space<vmem>>, %arg9: memref<2x256xi32, #tpu.memory_space<vmem>>, %arg10: memref<2x256xi32, #tpu.memory_space<vmem>>, %arg11: memref<2x2x128xi32, #tpu.memory_space<vmem>>, %arg12: memref<2x256x128xf32, #tpu.memory_space<vmem>>, %arg13: memref<!tpu.dma_semaphore, #tpu.memory_space<semaphore_mem>>, %arg14: memref<!tpu.dma_semaphore, #tpu.memory_space<semaphore_mem>>, %arg15: memref<!tpu.dma_semaphore, #tpu.memory_space<semaphore_mem>>, %arg16: memref<!tpu.dma_semaphore, #tpu.memory_space<semaphore_mem>>, %arg17: memref<!tpu.dma_semaphore, #tpu.memory_space<semaphore_mem>>) attributes {dimension_semantics = [#tpu.dimension_semantics<core_parallel>, #tpu.dimension_semantics<subcore_parallel>], iteration_bounds = array<i64: 2, 16>, scalar_prefetch = 0 : i64, scratch_operands = 11 : i64, tpu.core_type = #tpu.core_type<sc_vector_subcore>, window_params = [{transform_indices = #map}, {transform_indices = #map1}, {transform_indices = #map1}, {transform_indices = #map1}, {transform_indices = #map}]} {
    %mul3A = arith.constant 2 : i32
    %mul3A_0 = arith.muli %arg1, %mul3A : i32
    %add3A = arith.addi %mul3A_0, %arg0 : i32
    %mul3A_1 = arith.constant 25600 : i32
    %mul3A_2 = arith.muli %add3A, %mul3A_1 : i32
    %eq3A = arith.constant 0 : i32
    %eq3A_3 = arith.cmpi eq, %arg1, %eq3A : i32
    %convert_element_type3A = arith.extui %eq3A_3 : i1 to i32
    %cond3A = arith.constant 0 : i32
    %cond3A_4 = arith.cmpi ne, %convert_element_type3A, %cond3A : i32
    scf.if %cond3A_4 {
      "tpu.region"() ({
        %run_scoped3A = tpu.sem_alloc : memref<!tpu.dma_semaphore, #tpu.memory_space<semaphore_mem>>
        tpu.enqueue_dma source(%arg2 : memref<42x128xf32, #tpu.memory_space<hbm>>) target(%arg7 : memref<42x128xf32, #tpu.memory_space<vmem_shared>>) target_semaphore(%run_scoped3A : memref<!tpu.dma_semaphore, #tpu.memory_space<semaphore_mem>>)
        tpu.wait_dma2 semaphore(%run_scoped3A : memref<!tpu.dma_semaphore, #tpu.memory_space<semaphore_mem>>) src(%arg2 : memref<42x128xf32, #tpu.memory_space<hbm>>) dst(%arg7 : memref<42x128xf32, #tpu.memory_space<vmem_shared>>)
        tpu.yield
      }) : () -> ()
    } else {
    }
    %barrier3A = arith.constant 0 : index
    tpu.barrier barrier_id(%barrier3A)
    %add3A_5 = arith.constant 0 : i32
    %add3A_6 = arith.addi %mul3A_2, %add3A_5 : i32
    %dma_start3A = arith.constant 0 : i32
    %dma_start3A_7 = arith.constant 0 : i32
    %dma_start3A_8 = tpu.memref_slice %arg8[%dma_start3A, %dma_start3A_7] : memref<2x256xi32, #tpu.memory_space<vmem>> -> memref<1x256xi32, #tpu.memory_space<vmem>>
    %dma_start3A_9 = tpu.memref_squeeze %dma_start3A_8 : memref<1x256xi32, #tpu.memory_space<vmem>> -> memref<256xi32, #tpu.memory_space<vmem>>
    %dma_start3A_10 = tpu.memref_slice %arg3[%add3A_6] : memref<819200xi32, #tpu.memory_space<hbm>> -> memref<256xi32, #tpu.memory_space<hbm>>
    %dma_start3A_11 = arith.constant 0 : i32
    %dma_start3A_12 = tpu.memref_slice %arg8[%dma_start3A, %dma_start3A_11] : memref<2x256xi32, #tpu.memory_space<vmem>> -> memref<1x256xi32, #tpu.memory_space<vmem>>
    %dma_start3A_13 = tpu.memref_squeeze %dma_start3A_12 : memref<1x256xi32, #tpu.memory_space<vmem>> -> memref<256xi32, #tpu.memory_space<vmem>>
    %dma_start3A_14 = tpu.memref_slice %arg3[%add3A_6] : memref<819200xi32, #tpu.memory_space<hbm>> -> memref<256xi32, #tpu.memory_space<hbm>>
    tpu.enqueue_dma source(%dma_start3A_14 : memref<256xi32, #tpu.memory_space<hbm>>) target(%dma_start3A_13 : memref<256xi32, #tpu.memory_space<vmem>>) target_semaphore(%arg13 : memref<!tpu.dma_semaphore, #tpu.memory_space<semaphore_mem>>)
    %dma_start3A_15 = arith.constant 0 : i32
    %dma_start3A_16 = arith.constant 0 : i32
    %dma_start3A_17 = tpu.memref_slice %arg9[%dma_start3A_15, %dma_start3A_16] : memref<2x256xi32, #tpu.memory_space<vmem>> -> memref<1x256xi32, #tpu.memory_space<vmem>>
    %dma_start3A_18 = tpu.memref_squeeze %dma_start3A_17 : memref<1x256xi32, #tpu.memory_space<vmem>> -> memref<256xi32, #tpu.memory_space<vmem>>
    %dma_start3A_19 = tpu.memref_slice %arg4[%add3A_6] : memref<819200xi32, #tpu.memory_space<hbm>> -> memref<256xi32, #tpu.memory_space<hbm>>
    %dma_start3A_20 = arith.constant 0 : i32
    %dma_start3A_21 = tpu.memref_slice %arg9[%dma_start3A_15, %dma_start3A_20] : memref<2x256xi32, #tpu.memory_space<vmem>> -> memref<1x256xi32, #tpu.memory_space<vmem>>
    %dma_start3A_22 = tpu.memref_squeeze %dma_start3A_21 : memref<1x256xi32, #tpu.memory_space<vmem>> -> memref<256xi32, #tpu.memory_space<vmem>>
    %dma_start3A_23 = tpu.memref_slice %arg4[%add3A_6] : memref<819200xi32, #tpu.memory_space<hbm>> -> memref<256xi32, #tpu.memory_space<hbm>>
    tpu.enqueue_dma source(%dma_start3A_23 : memref<256xi32, #tpu.memory_space<hbm>>) target(%dma_start3A_22 : memref<256xi32, #tpu.memory_space<vmem>>) target_semaphore(%arg13 : memref<!tpu.dma_semaphore, #tpu.memory_space<semaphore_mem>>)
    %dma_start3A_24 = arith.constant 0 : i32
    %dma_start3A_25 = arith.constant 0 : i32
    %dma_start3A_26 = tpu.memref_slice %arg10[%dma_start3A_24, %dma_start3A_25] : memref<2x256xi32, #tpu.memory_space<vmem>> -> memref<1x256xi32, #tpu.memory_space<vmem>>
    %dma_start3A_27 = tpu.memref_squeeze %dma_start3A_26 : memref<1x256xi32, #tpu.memory_space<vmem>> -> memref<256xi32, #tpu.memory_space<vmem>>
    %dma_start3A_28 = tpu.memref_slice %arg5[%add3A_6] : memref<819200xi32, #tpu.memory_space<hbm>> -> memref<256xi32, #tpu.memory_space<hbm>>
    %dma_start3A_29 = arith.constant 0 : i32
    %dma_start3A_30 = tpu.memref_slice %arg10[%dma_start3A_24, %dma_start3A_29] : memref<2x256xi32, #tpu.memory_space<vmem>> -> memref<1x256xi32, #tpu.memory_space<vmem>>
    %dma_start3A_31 = tpu.memref_squeeze %dma_start3A_30 : memref<1x256xi32, #tpu.memory_space<vmem>> -> memref<256xi32, #tpu.memory_space<vmem>>
    %dma_start3A_32 = tpu.memref_slice %arg5[%add3A_6] : memref<819200xi32, #tpu.memory_space<hbm>> -> memref<256xi32, #tpu.memory_space<hbm>>
    tpu.enqueue_dma source(%dma_start3A_32 : memref<256xi32, #tpu.memory_space<hbm>>) target(%dma_start3A_31 : memref<256xi32, #tpu.memory_space<vmem>>) target_semaphore(%arg13 : memref<!tpu.dma_semaphore, #tpu.memory_space<semaphore_mem>>)
    %scan3A = arith.constant 0 : i32
    %scan3A_33 = arith.constant 0 : i32
    %scan3A_34 = arith.constant 50 : i32
    %scan3A_35 = arith.addi %scan3A_33, %scan3A_34 : i32
    %scan3A_36 = arith.constant 1 : i32
    %scan3A_37 = scf.for %scan3A_109 = %scan3A_33 to %scan3A_35 step %scan3A_36 iter_args(%scan3A_110 = %scan3A) -> (i32)  : i32 {
      %mul3A_111 = arith.constant 2 : i32
      %mul3A_112 = arith.muli %scan3A_109, %mul3A_111 : i32
      %add3A_113 = arith.constant 0 : i32
      %add3A_114 = arith.addi %mul3A_112, %add3A_113 : i32
      %dma_wait3A_115 = arith.constant 0 : i32
      %dma_wait3A_116 = arith.constant 0 : i32
      %dma_wait3A_117 = tpu.memref_slice %arg8[%dma_wait3A_115, %dma_wait3A_116] : memref<2x256xi32, #tpu.memory_space<vmem>> -> memref<1x256xi32, #tpu.memory_space<vmem>>
      %dma_wait3A_118 = tpu.memref_squeeze %dma_wait3A_117 : memref<1x256xi32, #tpu.memory_space<vmem>> -> memref<256xi32, #tpu.memory_space<vmem>>
      %dma_wait3A_119 = arith.constant 0 : i32
      %dma_wait3A_120 = tpu.memref_slice %arg3[%dma_wait3A_119] : memref<819200xi32, #tpu.memory_space<hbm>> -> memref<256xi32, #tpu.memory_space<hbm>>
      %dma_wait3A_121 = arith.constant 0 : i32
      %dma_wait3A_122 = tpu.memref_slice %arg8[%dma_wait3A_115, %dma_wait3A_121] : memref<2x256xi32, #tpu.memory_space<vmem>> -> memref<1x256xi32, #tpu.memory_space<vmem>>
      %dma_wait3A_123 = tpu.memref_squeeze %dma_wait3A_122 : memref<1x256xi32, #tpu.memory_space<vmem>> -> memref<256xi32, #tpu.memory_space<vmem>>
      %dma_wait3A_124 = arith.constant 0 : i32
      %dma_wait3A_125 = tpu.memref_slice %arg3[%dma_wait3A_124] : memref<819200xi32, #tpu.memory_space<hbm>> -> memref<256xi32, #tpu.memory_space<hbm>>
      tpu.wait_dma2 semaphore(%arg13 : memref<!tpu.dma_semaphore, #tpu.memory_space<semaphore_mem>>) src(%dma_wait3A_125 : memref<256xi32, #tpu.memory_space<hbm>>) dst(%dma_wait3A_123 : memref<256xi32, #tpu.memory_space<vmem>>)
      %dma_wait3A_126 = arith.constant 0 : i32
      %dma_wait3A_127 = arith.constant 0 : i32
      %dma_wait3A_128 = tpu.memref_slice %arg9[%dma_wait3A_126, %dma_wait3A_127] : memref<2x256xi32, #tpu.memory_space<vmem>> -> memref<1x256xi32, #tpu.memory_space<vmem>>
      %dma_wait3A_129 = tpu.memref_squeeze %dma_wait3A_128 : memref<1x256xi32, #tpu.memory_space<vmem>> -> memref<256xi32, #tpu.memory_space<vmem>>
      %dma_wait3A_130 = arith.constant 0 : i32
      %dma_wait3A_131 = tpu.memref_slice %arg3[%dma_wait3A_130] : memref<819200xi32, #tpu.memory_space<hbm>> -> memref<256xi32, #tpu.memory_space<hbm>>
      %dma_wait3A_132 = arith.constant 0 : i32
      %dma_wait3A_133 = tpu.memref_slice %arg9[%dma_wait3A_126, %dma_wait3A_132] : memref<2x256xi32, #tpu.memory_space<vmem>> -> memref<1x256xi32, #tpu.memory_space<vmem>>
      %dma_wait3A_134 = tpu.memref_squeeze %dma_wait3A_133 : memref<1x256xi32, #tpu.memory_space<vmem>> -> memref<256xi32, #tpu.memory_space<vmem>>
      %dma_wait3A_135 = arith.constant 0 : i32
      %dma_wait3A_136 = tpu.memref_slice %arg3[%dma_wait3A_135] : memref<819200xi32, #tpu.memory_space<hbm>> -> memref<256xi32, #tpu.memory_space<hbm>>
      tpu.wait_dma2 semaphore(%arg13 : memref<!tpu.dma_semaphore, #tpu.memory_space<semaphore_mem>>) src(%dma_wait3A_136 : memref<256xi32, #tpu.memory_space<hbm>>) dst(%dma_wait3A_134 : memref<256xi32, #tpu.memory_space<vmem>>)
      %dma_wait3A_137 = arith.constant 0 : i32
      %dma_wait3A_138 = arith.constant 0 : i32
      %dma_wait3A_139 = tpu.memref_slice %arg10[%dma_wait3A_137, %dma_wait3A_138] : memref<2x256xi32, #tpu.memory_space<vmem>> -> memref<1x256xi32, #tpu.memory_space<vmem>>
      %dma_wait3A_140 = tpu.memref_squeeze %dma_wait3A_139 : memref<1x256xi32, #tpu.memory_space<vmem>> -> memref<256xi32, #tpu.memory_space<vmem>>
      %dma_wait3A_141 = arith.constant 0 : i32
      %dma_wait3A_142 = tpu.memref_slice %arg3[%dma_wait3A_141] : memref<819200xi32, #tpu.memory_space<hbm>> -> memref<256xi32, #tpu.memory_space<hbm>>
      %dma_wait3A_143 = arith.constant 0 : i32
      %dma_wait3A_144 = tpu.memref_slice %arg10[%dma_wait3A_137, %dma_wait3A_143] : memref<2x256xi32, #tpu.memory_space<vmem>> -> memref<1x256xi32, #tpu.memory_space<vmem>>
      %dma_wait3A_145 = tpu.memref_squeeze %dma_wait3A_144 : memref<1x256xi32, #tpu.memory_space<vmem>> -> memref<256xi32, #tpu.memory_space<vmem>>
      %dma_wait3A_146 = arith.constant 0 : i32
      %dma_wait3A_147 = tpu.memref_slice %arg3[%dma_wait3A_146] : memref<819200xi32, #tpu.memory_space<hbm>> -> memref<256xi32, #tpu.memory_space<hbm>>
      tpu.wait_dma2 semaphore(%arg13 : memref<!tpu.dma_semaphore, #tpu.memory_space<semaphore_mem>>) src(%dma_wait3A_147 : memref<256xi32, #tpu.memory_space<hbm>>) dst(%dma_wait3A_145 : memref<256xi32, #tpu.memory_space<vmem>>)
      %add3A_148 = arith.constant 1 : i32
      %add3A_149 = arith.addi %add3A_114, %add3A_148 : i32
      %lt3A = arith.constant 100 : i32
      %lt3A_150 = arith.cmpi slt, %add3A_149, %lt3A : i32
      %convert_element_type3A_151 = arith.extui %lt3A_150 : i1 to i32
      %cond3A_152 = arith.constant 0 : i32
      %cond3A_153 = arith.cmpi ne, %convert_element_type3A_151, %cond3A_152 : i32
      scf.if %cond3A_153 {
        %add3A_318 = arith.constant 1 : i32
        %add3A_319 = arith.addi %add3A_114, %add3A_318 : i32
        %mul3A_320 = arith.constant 256 : i32
        %mul3A_321 = arith.muli %add3A_319, %mul3A_320 : i32
        %add3A_322 = arith.addi %mul3A_2, %mul3A_321 : i32
        %dma_start3A_323 = arith.constant 1 : i32
        %dma_start3A_324 = arith.constant 0 : i32
        %dma_start3A_325 = tpu.memref_slice %arg8[%dma_start3A_323, %dma_start3A_324] : memref<2x256xi32, #tpu.memory_space<vmem>> -> memref<1x256xi32, #tpu.memory_space<vmem>>
        %dma_start3A_326 = tpu.memref_squeeze %dma_start3A_325 : memref<1x256xi32, #tpu.memory_space<vmem>> -> memref<256xi32, #tpu.memory_space<vmem>>
        %dma_start3A_327 = tpu.memref_slice %arg3[%add3A_322] : memref<819200xi32, #tpu.memory_space<hbm>> -> memref<256xi32, #tpu.memory_space<hbm>>
        %dma_start3A_328 = arith.constant 0 : i32
        %dma_start3A_329 = tpu.memref_slice %arg8[%dma_start3A_323, %dma_start3A_328] : memref<2x256xi32, #tpu.memory_space<vmem>> -> memref<1x256xi32, #tpu.memory_space<vmem>>
        %dma_start3A_330 = tpu.memref_squeeze %dma_start3A_329 : memref<1x256xi32, #tpu.memory_space<vmem>> -> memref<256xi32, #tpu.memory_space<vmem>>
        %dma_start3A_331 = tpu.memref_slice %arg3[%add3A_322] : memref<819200xi32, #tpu.memory_space<hbm>> -> memref<256xi32, #tpu.memory_space<hbm>>
        tpu.enqueue_dma source(%dma_start3A_331 : memref<256xi32, #tpu.memory_space<hbm>>) target(%dma_start3A_330 : memref<256xi32, #tpu.memory_space<vmem>>) target_semaphore(%arg13 : memref<!tpu.dma_semaphore, #tpu.memory_space<semaphore_mem>>)
        %dma_start3A_332 = arith.constant 1 : i32
        %dma_start3A_333 = arith.constant 0 : i32
        %dma_start3A_334 = tpu.memref_slice %arg9[%dma_start3A_332, %dma_start3A_333] : memref<2x256xi32, #tpu.memory_space<vmem>> -> memref<1x256xi32, #tpu.memory_space<vmem>>
        %dma_start3A_335 = tpu.memref_squeeze %dma_start3A_334 : memref<1x256xi32, #tpu.memory_space<vmem>> -> memref<256xi32, #tpu.memory_space<vmem>>
        %dma_start3A_336 = tpu.memref_slice %arg4[%add3A_322] : memref<819200xi32, #tpu.memory_space<hbm>> -> memref<256xi32, #tpu.memory_space<hbm>>
        %dma_start3A_337 = arith.constant 0 : i32
        %dma_start3A_338 = tpu.memref_slice %arg9[%dma_start3A_332, %dma_start3A_337] : memref<2x256xi32, #tpu.memory_space<vmem>> -> memref<1x256xi32, #tpu.memory_space<vmem>>
        %dma_start3A_339 = tpu.memref_squeeze %dma_start3A_338 : memref<1x256xi32, #tpu.memory_space<vmem>> -> memref<256xi32, #tpu.memory_space<vmem>>
        %dma_start3A_340 = tpu.memref_slice %arg4[%add3A_322] : memref<819200xi32, #tpu.memory_space<hbm>> -> memref<256xi32, #tpu.memory_space<hbm>>
        tpu.enqueue_dma source(%dma_start3A_340 : memref<256xi32, #tpu.memory_space<hbm>>) target(%dma_start3A_339 : memref<256xi32, #tpu.memory_space<vmem>>) target_semaphore(%arg13 : memref<!tpu.dma_semaphore, #tpu.memory_space<semaphore_mem>>)
        %dma_start3A_341 = arith.constant 1 : i32
        %dma_start3A_342 = arith.constant 0 : i32
        %dma_start3A_343 = tpu.memref_slice %arg10[%dma_start3A_341, %dma_start3A_342] : memref<2x256xi32, #tpu.memory_space<vmem>> -> memref<1x256xi32, #tpu.memory_space<vmem>>
        %dma_start3A_344 = tpu.memref_squeeze %dma_start3A_343 : memref<1x256xi32, #tpu.memory_space<vmem>> -> memref<256xi32, #tpu.memory_space<vmem>>
        %dma_start3A_345 = tpu.memref_slice %arg5[%add3A_322] : memref<819200xi32, #tpu.memory_space<hbm>> -> memref<256xi32, #tpu.memory_space<hbm>>
        %dma_start3A_346 = arith.constant 0 : i32
        %dma_start3A_347 = tpu.memref_slice %arg10[%dma_start3A_341, %dma_start3A_346] : memref<2x256xi32, #tpu.memory_space<vmem>> -> memref<1x256xi32, #tpu.memory_space<vmem>>
        %dma_start3A_348 = tpu.memref_squeeze %dma_start3A_347 : memref<1x256xi32, #tpu.memory_space<vmem>> -> memref<256xi32, #tpu.memory_space<vmem>>
        %dma_start3A_349 = tpu.memref_slice %arg5[%add3A_322] : memref<819200xi32, #tpu.memory_space<hbm>> -> memref<256xi32, #tpu.memory_space<hbm>>
        tpu.enqueue_dma source(%dma_start3A_349 : memref<256xi32, #tpu.memory_space<hbm>>) target(%dma_start3A_348 : memref<256xi32, #tpu.memory_space<vmem>>) target_semaphore(%arg13 : memref<!tpu.dma_semaphore, #tpu.memory_space<semaphore_mem>>)
      } else {
      }
      %scan3A_154 = arith.constant 0 : i32
      %scan3A_155 = arith.constant 0 : i32
      %scan3A_156 = arith.constant 0 : i32
      %scan3A_157 = arith.constant 0 : i32
      %scan3A_158 = arith.constant 0 : i32
      %scan3A_159 = arith.constant 0 : i32
      %scan3A_160 = arith.constant 0 : i32
      %scan3A_161 = arith.constant 8 : i32
      %scan3A_162 = arith.addi %scan3A_160, %scan3A_161 : i32
      %scan3A_163 = arith.constant 1 : i32
      %scan3A_164 = scf.for %scan3A_318 = %scan3A_160 to %scan3A_162 step %scan3A_163 iter_args(%scan3A_319 = %scan3A_159) -> (i32)  : i32 {
        %mul3A_320 = arith.constant 16 : i32
        %mul3A_321 = arith.muli %scan3A_318, %mul3A_320 : i32
        %add3A_322 = arith.constant 0 : i32
        %add3A_323 = arith.addi %add3A_322, %mul3A_321 : i32
        %mul3A_324 = arith.constant 16 : i32
        %mul3A_325 = arith.muli %scan3A_318, %mul3A_324 : i32
        %get3A = arith.constant 0 : i32
        %get3A_326 = tpu.memref_slice %arg8[%scan3A_154, %get3A] : memref<2x256xi32, #tpu.memory_space<vmem>> -> memref<1x256xi32, #tpu.memory_space<vmem>>
        %get3A_327 = tpu.memref_squeeze %get3A_326 : memref<1x256xi32, #tpu.memory_space<vmem>> -> memref<256xi32, #tpu.memory_space<vmem>>
        %get3A_328 = arith.index_cast %add3A_323 : i32 to index
        %get3A_329 = tpu.vector_load %get3A_327[%get3A_328] {strides = array<i32>} : memref<256xi32, #tpu.memory_space<vmem>>, vector<16xi32>,
        %get3A_330 = vector.shape_cast %get3A_329 : vector<16xi32> to vector<16xi32>
        %jit3A = arith.constant 0 : i32
        %jit3A_331 = arith.constant 2 : i32
        %max3A = vector.broadcast %jit3A : i32 to vector<16xi32>
        %max3A_332 = arith.maxsi %max3A, %get3A_330 : vector<16xi32>
        %min3A = vector.broadcast %jit3A_331 : i32 to vector<16xi32>
        %min3A_333 = arith.minsi %min3A, %max3A_332 : vector<16xi32>
        %get3A_334 = arith.constant 0 : i32
        %get3A_335 = tpu.memref_slice %arg9[%scan3A_155, %get3A_334] : memref<2x256xi32, #tpu.memory_space<vmem>> -> memref<1x256xi32, #tpu.memory_space<vmem>>
        %get3A_336 = tpu.memref_squeeze %get3A_335 : memref<1x256xi32, #tpu.memory_space<vmem>> -> memref<256xi32, #tpu.memory_space<vmem>>
        %get3A_337 = arith.index_cast %add3A_323 : i32 to index
        %get3A_338 = tpu.vector_load %get3A_336[%get3A_337] {strides = array<i32>} : memref<256xi32, #tpu.memory_space<vmem>>, vector<16xi32>,
        %get3A_339 = vector.shape_cast %get3A_338 : vector<16xi32> to vector<16xi32>
        %jit3A_340 = arith.constant 0 : i32
        %jit3A_341 = arith.constant 6 : i32
        %max3A_342 = vector.broadcast %jit3A_340 : i32 to vector<16xi32>
        %max3A_343 = arith.maxsi %max3A_342, %get3A_339 : vector<16xi32>
        %min3A_344 = vector.broadcast %jit3A_341 : i32 to vector<16xi32>
        %min3A_345 = arith.minsi %min3A_344, %max3A_343 : vector<16xi32>
        %get3A_346 = arith.constant 0 : i32
        %get3A_347 = tpu.memref_slice %arg10[%scan3A_156, %get3A_346] : memref<2x256xi32, #tpu.memory_space<vmem>> -> memref<1x256xi32, #tpu.memory_space<vmem>>
        %get3A_348 = tpu.memref_squeeze %get3A_347 : memref<1x256xi32, #tpu.memory_space<vmem>> -> memref<256xi32, #tpu.memory_space<vmem>>
        %get3A_349 = arith.index_cast %add3A_323 : i32 to index
        %get3A_350 = tpu.vector_load %get3A_348[%get3A_349] {strides = array<i32>} : memref<256xi32, #tpu.memory_space<vmem>>, vector<16xi32>,
        %get3A_351 = vector.shape_cast %get3A_350 : vector<16xi32> to vector<16xi32>
        %jit3A_352 = arith.constant 0 : i32
        %jit3A_353 = arith.constant 1 : i32
        %max3A_354 = vector.broadcast %jit3A_352 : i32 to vector<16xi32>
        %max3A_355 = arith.maxsi %max3A_354, %get3A_351 : vector<16xi32>
        %min3A_356 = vector.broadcast %jit3A_353 : i32 to vector<16xi32>
        %min3A_357 = arith.minsi %min3A_356, %max3A_355 : vector<16xi32>
        %mul3A_358 = arith.constant 14 : i32
        %mul3A_359 = vector.broadcast %mul3A_358 : i32 to vector<16xi32>
        %mul3A_360 = arith.muli %min3A_333, %mul3A_359 : vector<16xi32>
        %mul3A_361 = arith.constant 2 : i32
        %mul3A_362 = vector.broadcast %mul3A_361 : i32 to vector<16xi32>
        %mul3A_363 = arith.muli %min3A_345, %mul3A_362 : vector<16xi32>
        %add3A_364 = arith.addi %mul3A_360, %mul3A_363 : vector<16xi32>
        %add3A_365 = arith.addi %add3A_364, %min3A_357 : vector<16xi32>
        %swap3A = arith.constant 0 : i32
        %swap3A_366 = tpu.memref_slice %arg11[%scan3A_157, %scan3A_158, %swap3A] : memref<2x2x128xi32, #tpu.memory_space<vmem>> -> memref<1x1x128xi32, #tpu.memory_space<vmem>>
        %swap3A_367 = tpu.memref_squeeze %swap3A_366 : memref<1x1x128xi32, #tpu.memory_space<vmem>> -> memref<128xi32, #tpu.memory_space<vmem>>
        %swap3A_368 = arith.index_cast %mul3A_325 : i32 to index
        %swap3A_369 = tpu.vector_load %swap3A_367[%swap3A_368] {strides = array<i32>} : memref<128xi32, #tpu.memory_space<vmem>>, vector<16xi32>,
        %swap3A_370 = vector.shape_cast %swap3A_369 : vector<16xi32> to vector<16xi32>
        %swap3A_371 = vector.shape_cast %add3A_365 : vector<16xi32> to vector<16xi32>
        tpu.vector_store %swap3A_367[%swap3A_368], %swap3A_371 {strides = array<i32>} : memref<128xi32, #tpu.memory_space<vmem>>, vector<16xi32>,
        %scan3A_372 = arith.constant 0 : i32
        scf.yield %scan3A_372 : i32
      }
      %scan3A_165 = arith.constant 8 : i32
      %scan3A_166 = arith.constant 0 : i32
      %scan3A_167 = arith.constant 0 : i32
      %scan3A_168 = arith.constant 0 : i32
      %scan3A_169 = arith.constant 0 : i32
      %scan3A_170 = arith.constant 1 : i32
      %scan3A_171 = arith.constant 0 : i32
      %scan3A_172 = arith.constant 0 : i32
      %scan3A_173 = arith.constant 8 : i32
      %scan3A_174 = arith.addi %scan3A_172, %scan3A_173 : i32
      %scan3A_175 = arith.constant 1 : i32
      %scan3A_176 = scf.for %scan3A_318 = %scan3A_172 to %scan3A_174 step %scan3A_175 iter_args(%scan3A_319 = %scan3A_171) -> (i32)  : i32 {
        %mul3A_320 = arith.constant 16 : i32
        %mul3A_321 = arith.muli %scan3A_318, %mul3A_320 : i32
        %add3A_322 = arith.constant 128 : i32
        %add3A_323 = arith.addi %add3A_322, %mul3A_321 : i32
        %mul3A_324 = arith.constant 16 : i32
        %mul3A_325 = arith.muli %scan3A_318, %mul3A_324 : i32
        %get3A = arith.constant 0 : i32
        %get3A_326 = tpu.memref_slice %arg8[%scan3A_166, %get3A] : memref<2x256xi32, #tpu.memory_space<vmem>> -> memref<1x256xi32, #tpu.memory_space<vmem>>
        %get3A_327 = tpu.memref_squeeze %get3A_326 : memref<1x256xi32, #tpu.memory_space<vmem>> -> memref<256xi32, #tpu.memory_space<vmem>>
        %get3A_328 = arith.index_cast %add3A_323 : i32 to index
        %get3A_329 = tpu.vector_load %get3A_327[%get3A_328] {strides = array<i32>} : memref<256xi32, #tpu.memory_space<vmem>>, vector<16xi32>,
        %get3A_330 = vector.shape_cast %get3A_329 : vector<16xi32> to vector<16xi32>
        %jit3A = arith.constant 0 : i32
        %jit3A_331 = arith.constant 2 : i32
        %max3A = vector.broadcast %jit3A : i32 to vector<16xi32>
        %max3A_332 = arith.maxsi %max3A, %get3A_330 : vector<16xi32>
        %min3A = vector.broadcast %jit3A_331 : i32 to vector<16xi32>
        %min3A_333 = arith.minsi %min3A, %max3A_332 : vector<16xi32>
        %get3A_334 = arith.constant 0 : i32
        %get3A_335 = tpu.memref_slice %arg9[%scan3A_167, %get3A_334] : memref<2x256xi32, #tpu.memory_space<vmem>> -> memref<1x256xi32, #tpu.memory_space<vmem>>
        %get3A_336 = tpu.memref_squeeze %get3A_335 : memref<1x256xi32, #tpu.memory_space<vmem>> -> memref<256xi32, #tpu.memory_space<vmem>>
        %get3A_337 = arith.index_cast %add3A_323 : i32 to index
        %get3A_338 = tpu.vector_load %get3A_336[%get3A_337] {strides = array<i32>} : memref<256xi32, #tpu.memory_space<vmem>>, vector<16xi32>,
        %get3A_339 = vector.shape_cast %get3A_338 : vector<16xi32> to vector<16xi32>
        %jit3A_340 = arith.constant 0 : i32
        %jit3A_341 = arith.constant 6 : i32
        %max3A_342 = vector.broadcast %jit3A_340 : i32 to vector<16xi32>
        %max3A_343 = arith.maxsi %max3A_342, %get3A_339 : vector<16xi32>
        %min3A_344 = vector.broadcast %jit3A_341 : i32 to vector<16xi32>
        %min3A_345 = arith.minsi %min3A_344, %max3A_343 : vector<16xi32>
        %get3A_346 = arith.constant 0 : i32
        %get3A_347 = tpu.memref_slice %arg10[%scan3A_168, %get3A_346] : memref<2x256xi32, #tpu.memory_space<vmem>> -> memref<1x256xi32, #tpu.memory_space<vmem>>
        %get3A_348 = tpu.memref_squeeze %get3A_347 : memref<1x256xi32, #tpu.memory_space<vmem>> -> memref<256xi32, #tpu.memory_space<vmem>>
        %get3A_349 = arith.index_cast %add3A_323 : i32 to index
        %get3A_350 = tpu.vector_load %get3A_348[%get3A_349] {strides = array<i32>} : memref<256xi32, #tpu.memory_space<vmem>>, vector<16xi32>,
        %get3A_351 = vector.shape_cast %get3A_350 : vector<16xi32> to vector<16xi32>
        %jit3A_352 = arith.constant 0 : i32
        %jit3A_353 = arith.constant 1 : i32
        %max3A_354 = vector.broadcast %jit3A_352 : i32 to vector<16xi32>
        %max3A_355 = arith.maxsi %max3A_354, %get3A_351 : vector<16xi32>
        %min3A_356 = vector.broadcast %jit3A_353 : i32 to vector<16xi32>
        %min3A_357 = arith.minsi %min3A_356, %max3A_355 : vector<16xi32>
        %mul3A_358 = arith.constant 14 : i32
        %mul3A_359 = vector.broadcast %mul3A_358 : i32 to vector<16xi32>
        %mul3A_360 = arith.muli %min3A_333, %mul3A_359 : vector<16xi32>
        %mul3A_361 = arith.constant 2 : i32
        %mul3A_362 = vector.broadcast %mul3A_361 : i32 to vector<16xi32>
        %mul3A_363 = arith.muli %min3A_345, %mul3A_362 : vector<16xi32>
        %add3A_364 = arith.addi %mul3A_360, %mul3A_363 : vector<16xi32>
        %add3A_365 = arith.addi %add3A_364, %min3A_357 : vector<16xi32>
        %swap3A = arith.constant 0 : i32
        %swap3A_366 = tpu.memref_slice %arg11[%scan3A_169, %scan3A_170, %swap3A] : memref<2x2x128xi32, #tpu.memory_space<vmem>> -> memref<1x1x128xi32, #tpu.memory_space<vmem>>
        %swap3A_367 = tpu.memref_squeeze %swap3A_366 : memref<1x1x128xi32, #tpu.memory_space<vmem>> -> memref<128xi32, #tpu.memory_space<vmem>>
        %swap3A_368 = arith.index_cast %mul3A_325 : i32 to index
        %swap3A_369 = tpu.vector_load %swap3A_367[%swap3A_368] {strides = array<i32>} : memref<128xi32, #tpu.memory_space<vmem>>, vector<16xi32>,
        %swap3A_370 = vector.shape_cast %swap3A_369 : vector<16xi32> to vector<16xi32>
        %swap3A_371 = vector.shape_cast %add3A_365 : vector<16xi32> to vector<16xi32>
        tpu.vector_store %swap3A_367[%swap3A_368], %swap3A_371 {strides = array<i32>} : memref<128xi32, #tpu.memory_space<vmem>>, vector<16xi32>,
        %scan3A_372 = arith.constant 0 : i32
        scf.yield %scan3A_372 : i32
      }
      %scan3A_177 = arith.constant 8 : i32
      %ge3A = arith.constant 2 : i32
      %ge3A_178 = arith.cmpi sge, %add3A_114, %ge3A : i32
      %convert_element_type3A_179 = arith.extui %ge3A_178 : i1 to i32
      %cond3A_180 = arith.constant 0 : i32
      %cond3A_181 = arith.cmpi ne, %convert_element_type3A_179, %cond3A_180 : i32
      scf.if %cond3A_181 {
        %dma_wait3A_318 = arith.constant 0 : i32
        %dma_wait3A_319 = arith.constant 0 : i32
        %dma_wait3A_320 = arith.constant 0 : i32
        %dma_wait3A_321 = tpu.memref_slice %arg12[%dma_wait3A_318, %dma_wait3A_319, %dma_wait3A_320] : memref<2x256x128xf32, #tpu.memory_space<vmem>> -> memref<1x256x128xf32, #tpu.memory_space<vmem>>
        %dma_wait3A_322 = tpu.memref_squeeze %dma_wait3A_321 : memref<1x256x128xf32, #tpu.memory_space<vmem>> -> memref<256x128xf32, #tpu.memory_space<vmem>>
        %dma_wait3A_323 = arith.constant 0 : i32
        %dma_wait3A_324 = arith.constant 0 : i32
        %dma_wait3A_325 = tpu.memref_slice %arg6[%dma_wait3A_323, %dma_wait3A_324] : memref<819200x128xf32, #tpu.memory_space<hbm>> -> memref<256x128xf32, #tpu.memory_space<hbm>>
        %dma_wait3A_326 = arith.constant 0 : i32
        %dma_wait3A_327 = arith.constant 0 : i32
        %dma_wait3A_328 = tpu.memref_slice %arg6[%dma_wait3A_326, %dma_wait3A_327] : memref<819200x128xf32, #tpu.memory_space<hbm>> -> memref<256x128xf32, #tpu.memory_space<hbm>>
        %dma_wait3A_329 = arith.constant 0 : i32
        %dma_wait3A_330 = arith.constant 0 : i32
        %dma_wait3A_331 = tpu.memref_slice %arg12[%dma_wait3A_318, %dma_wait3A_329, %dma_wait3A_330] : memref<2x256x128xf32, #tpu.memory_space<vmem>> -> memref<1x256x128xf32, #tpu.memory_space<vmem>>
        %dma_wait3A_332 = tpu.memref_squeeze %dma_wait3A_331 : memref<1x256x128xf32, #tpu.memory_space<vmem>> -> memref<256x128xf32, #tpu.memory_space<vmem>>
        tpu.wait_dma2 semaphore(%arg16 : memref<!tpu.dma_semaphore, #tpu.memory_space<semaphore_mem>>) src(%dma_wait3A_332 : memref<256x128xf32, #tpu.memory_space<vmem>>) dst(%dma_wait3A_328 : memref<256x128xf32, #tpu.memory_space<hbm>>)
      } else {
      }
      %dma_start3A_182 = arith.constant 0 : i32
      %dma_start3A_183 = arith.constant 0 : i32
      %dma_start3A_184 = arith.constant 0 : i32
      %dma_start3A_185 = arith.constant 0 : i32
      %dma_start3A_186 = arith.constant 0 : i32
      %dma_start3A_187 = tpu.memref_slice %arg12[%dma_start3A_184, %dma_start3A_185, %dma_start3A_186] : memref<2x256x128xf32, #tpu.memory_space<vmem>> -> memref<1x128x128xf32, #tpu.memory_space<vmem>>
      %dma_start3A_188 = tpu.memref_squeeze %dma_start3A_187 : memref<1x128x128xf32, #tpu.memory_space<vmem>> -> memref<128x128xf32, #tpu.memory_space<vmem>>
      %dma_start3A_189 = arith.constant 0 : i32
      %dma_start3A_190 = tpu.memref_slice %arg11[%dma_start3A_182, %dma_start3A_183, %dma_start3A_189] : memref<2x2x128xi32, #tpu.memory_space<vmem>> -> memref<1x1x128xi32, #tpu.memory_space<vmem>>
      %dma_start3A_191 = tpu.memref_squeeze %dma_start3A_190 : memref<1x1x128xi32, #tpu.memory_space<vmem>> -> memref<128xi32, #tpu.memory_space<vmem>>
      %dma_start3A_192 = arith.constant 0 : i32
      %dma_start3A_193 = arith.constant 0 : i32
      %dma_start3A_194 = tpu.memref_slice %arg7[%dma_start3A_192, %dma_start3A_193] : memref<42x128xf32, #tpu.memory_space<vmem_shared>> -> memref<42x128xf32, #tpu.memory_space<vmem_shared>>
      tpu.enqueue_indirect_dma source(%dma_start3A_194 : memref<42x128xf32, #tpu.memory_space<vmem_shared>>) target(%dma_start3A_188 : memref<128x128xf32, #tpu.memory_space<vmem>>) offsets(%dma_start3A_191 : memref<128xi32, #tpu.memory_space<vmem>>) semaphore(%arg14 : memref<!tpu.dma_semaphore, #tpu.memory_space<semaphore_mem>>)
      %dma_start3A_195 = arith.constant 0 : i32
      %dma_start3A_196 = arith.constant 1 : i32
      %dma_start3A_197 = arith.constant 0 : i32
      %dma_start3A_198 = arith.constant 128 : i32
      %dma_start3A_199 = arith.constant 0 : i32
      %dma_start3A_200 = tpu.memref_slice %arg12[%dma_start3A_197, %dma_start3A_198, %dma_start3A_199] : memref<2x256x128xf32, #tpu.memory_space<vmem>> -> memref<1x128x128xf32, #tpu.memory_space<vmem>>
      %dma_start3A_201 = tpu.memref_squeeze %dma_start3A_200 : memref<1x128x128xf32, #tpu.memory_space<vmem>> -> memref<128x128xf32, #tpu.memory_space<vmem>>
      %dma_start3A_202 = arith.constant 0 : i32
      %dma_start3A_203 = tpu.memref_slice %arg11[%dma_start3A_195, %dma_start3A_196, %dma_start3A_202] : memref<2x2x128xi32, #tpu.memory_space<vmem>> -> memref<1x1x128xi32, #tpu.memory_space<vmem>>
      %dma_start3A_204 = tpu.memref_squeeze %dma_start3A_203 : memref<1x1x128xi32, #tpu.memory_space<vmem>> -> memref<128xi32, #tpu.memory_space<vmem>>
      %dma_start3A_205 = arith.constant 0 : i32
      %dma_start3A_206 = arith.constant 0 : i32
      %dma_start3A_207 = tpu.memref_slice %arg7[%dma_start3A_205, %dma_start3A_206] : memref<42x128xf32, #tpu.memory_space<vmem_shared>> -> memref<42x128xf32, #tpu.memory_space<vmem_shared>>
      tpu.enqueue_indirect_dma source(%dma_start3A_207 : memref<42x128xf32, #tpu.memory_space<vmem_shared>>) target(%dma_start3A_201 : memref<128x128xf32, #tpu.memory_space<vmem>>) offsets(%dma_start3A_204 : memref<128xi32, #tpu.memory_space<vmem>>) semaphore(%arg14 : memref<!tpu.dma_semaphore, #tpu.memory_space<semaphore_mem>>)
      %ge3A_208 = arith.constant 1 : i32
      %ge3A_209 = arith.cmpi sge, %add3A_114, %ge3A_208 : i32
      %convert_element_type3A_210 = arith.extui %ge3A_209 : i1 to i32
      %cond3A_211 = arith.constant 0 : i32
      %cond3A_212 = arith.cmpi ne, %convert_element_type3A_210, %cond3A_211 : i32
      scf.if %cond3A_212 {
        %dma_wait3A_318 = arith.constant 1 : i32
        %dma_wait3A_319 = arith.constant 0 : i32
        %dma_wait3A_320 = arith.constant 1 : i32
        %dma_wait3A_321 = arith.constant 0 : i32
        %dma_wait3A_322 = arith.constant 0 : i32
        %dma_wait3A_323 = tpu.memref_slice %arg12[%dma_wait3A_320, %dma_wait3A_321, %dma_wait3A_322] : memref<2x256x128xf32, #tpu.memory_space<vmem>> -> memref<1x128x128xf32, #tpu.memory_space<vmem>>
        %dma_wait3A_324 = tpu.memref_squeeze %dma_wait3A_323 : memref<1x128x128xf32, #tpu.memory_space<vmem>> -> memref<128x128xf32, #tpu.memory_space<vmem>>
        %dma_wait3A_325 = arith.constant 0 : i32
        %dma_wait3A_326 = tpu.memref_slice %arg11[%dma_wait3A_318, %dma_wait3A_319, %dma_wait3A_325] : memref<2x2x128xi32, #tpu.memory_space<vmem>> -> memref<1x1x128xi32, #tpu.memory_space<vmem>>
        %dma_wait3A_327 = tpu.memref_squeeze %dma_wait3A_326 : memref<1x1x128xi32, #tpu.memory_space<vmem>> -> memref<128xi32, #tpu.memory_space<vmem>>
        %dma_wait3A_328 = arith.constant 0 : i32
        %dma_wait3A_329 = arith.constant 0 : i32
        %dma_wait3A_330 = tpu.memref_slice %arg7[%dma_wait3A_328, %dma_wait3A_329] : memref<42x128xf32, #tpu.memory_space<vmem_shared>> -> memref<42x128xf32, #tpu.memory_space<vmem_shared>>
        tpu.wait_indirect_dma semaphore(%arg15 : memref<!tpu.dma_semaphore, #tpu.memory_space<semaphore_mem>>) src(%dma_wait3A_330 : memref<42x128xf32, #tpu.memory_space<vmem_shared>>) dst(%dma_wait3A_324 : memref<128x128xf32, #tpu.memory_space<vmem>>)
        %dma_wait3A_331 = arith.constant 1 : i32
        %dma_wait3A_332 = arith.constant 1 : i32
        %dma_wait3A_333 = arith.constant 1 : i32
        %dma_wait3A_334 = arith.constant 128 : i32
        %dma_wait3A_335 = arith.constant 0 : i32
        %dma_wait3A_336 = tpu.memref_slice %arg12[%dma_wait3A_333, %dma_wait3A_334, %dma_wait3A_335] : memref<2x256x128xf32, #tpu.memory_space<vmem>> -> memref<1x128x128xf32, #tpu.memory_space<vmem>>
        %dma_wait3A_337 = tpu.memref_squeeze %dma_wait3A_336 : memref<1x128x128xf32, #tpu.memory_space<vmem>> -> memref<128x128xf32, #tpu.memory_space<vmem>>
        %dma_wait3A_338 = arith.constant 0 : i32
        %dma_wait3A_339 = tpu.memref_slice %arg11[%dma_wait3A_331, %dma_wait3A_332, %dma_wait3A_338] : memref<2x2x128xi32, #tpu.memory_space<vmem>> -> memref<1x1x128xi32, #tpu.memory_space<vmem>>
        %dma_wait3A_340 = tpu.memref_squeeze %dma_wait3A_339 : memref<1x1x128xi32, #tpu.memory_space<vmem>> -> memref<128xi32, #tpu.memory_space<vmem>>
        %dma_wait3A_341 = arith.constant 0 : i32
        %dma_wait3A_342 = arith.constant 0 : i32
        %dma_wait3A_343 = tpu.memref_slice %arg7[%dma_wait3A_341, %dma_wait3A_342] : memref<42x128xf32, #tpu.memory_space<vmem_shared>> -> memref<42x128xf32, #tpu.memory_space<vmem_shared>>
        tpu.wait_indirect_dma semaphore(%arg15 : memref<!tpu.dma_semaphore, #tpu.memory_space<semaphore_mem>>) src(%dma_wait3A_343 : memref<42x128xf32, #tpu.memory_space<vmem_shared>>) dst(%dma_wait3A_337 : memref<128x128xf32, #tpu.memory_space<vmem>>)
        %sub3A = arith.constant 1 : i32
        %sub3A_344 = arith.subi %add3A_114, %sub3A : i32
        %mul3A_345 = arith.constant 256 : i32
        %mul3A_346 = arith.muli %sub3A_344, %mul3A_345 : i32
        %add3A_347 = arith.addi %mul3A_2, %mul3A_346 : i32
        %dma_start3A_348 = arith.constant 1 : i32
        %dma_start3A_349 = arith.constant 0 : i32
        %dma_start3A_350 = arith.constant 0 : i32
        %dma_start3A_351 = tpu.memref_slice %arg12[%dma_start3A_348, %dma_start3A_349, %dma_start3A_350] : memref<2x256x128xf32, #tpu.memory_space<vmem>> -> memref<1x256x128xf32, #tpu.memory_space<vmem>>
        %dma_start3A_352 = tpu.memref_squeeze %dma_start3A_351 : memref<1x256x128xf32, #tpu.memory_space<vmem>> -> memref<256x128xf32, #tpu.memory_space<vmem>>
        %dma_start3A_353 = arith.constant 0 : i32
        %dma_start3A_354 = tpu.memref_slice %arg6[%add3A_347, %dma_start3A_353] : memref<819200x128xf32, #tpu.memory_space<hbm>> -> memref<256x128xf32, #tpu.memory_space<hbm>>
        %dma_start3A_355 = arith.constant 0 : i32
        %dma_start3A_356 = tpu.memref_slice %arg6[%add3A_347, %dma_start3A_355] : memref<819200x128xf32, #tpu.memory_space<hbm>> -> memref<256x128xf32, #tpu.memory_space<hbm>>
        %dma_start3A_357 = arith.constant 0 : i32
        %dma_start3A_358 = arith.constant 0 : i32
        %dma_start3A_359 = tpu.memref_slice %arg12[%dma_start3A_348, %dma_start3A_357, %dma_start3A_358] : memref<2x256x128xf32, #tpu.memory_space<vmem>> -> memref<1x256x128xf32, #tpu.memory_space<vmem>>
        %dma_start3A_360 = tpu.memref_squeeze %dma_start3A_359 : memref<1x256x128xf32, #tpu.memory_space<vmem>> -> memref<256x128xf32, #tpu.memory_space<vmem>>
        tpu.enqueue_dma source(%dma_start3A_360 : memref<256x128xf32, #tpu.memory_space<vmem>>) target(%dma_start3A_356 : memref<256x128xf32, #tpu.memory_space<hbm>>) target_semaphore(%arg17 : memref<!tpu.dma_semaphore, #tpu.memory_space<semaphore_mem>>)
      } else {
      }
      %mul3A_213 = arith.constant 2 : i32
      %mul3A_214 = arith.muli %scan3A_109, %mul3A_213 : i32
      %add3A_215 = arith.constant 1 : i32
      %add3A_216 = arith.addi %mul3A_214, %add3A_215 : i32
      %dma_wait3A_217 = arith.constant 1 : i32
      %dma_wait3A_218 = arith.constant 0 : i32
      %dma_wait3A_219 = tpu.memref_slice %arg8[%dma_wait3A_217, %dma_wait3A_218] : memref<2x256xi32, #tpu.memory_space<vmem>> -> memref<1x256xi32, #tpu.memory_space<vmem>>
      %dma_wait3A_220 = tpu.memref_squeeze %dma_wait3A_219 : memref<1x256xi32, #tpu.memory_space<vmem>> -> memref<256xi32, #tpu.memory_space<vmem>>
      %dma_wait3A_221 = arith.constant 0 : i32
      %dma_wait3A_222 = tpu.memref_slice %arg3[%dma_wait3A_221] : memref<819200xi32, #tpu.memory_space<hbm>> -> memref<256xi32, #tpu.memory_space<hbm>>
      %dma_wait3A_223 = arith.constant 0 : i32
      %dma_wait3A_224 = tpu.memref_slice %arg8[%dma_wait3A_217, %dma_wait3A_223] : memref<2x256xi32, #tpu.memory_space<vmem>> -> memref<1x256xi32, #tpu.memory_space<vmem>>
      %dma_wait3A_225 = tpu.memref_squeeze %dma_wait3A_224 : memref<1x256xi32, #tpu.memory_space<vmem>> -> memref<256xi32, #tpu.memory_space<vmem>>
      %dma_wait3A_226 = arith.constant 0 : i32
      %dma_wait3A_227 = tpu.memref_slice %arg3[%dma_wait3A_226] : memref<819200xi32, #tpu.memory_space<hbm>> -> memref<256xi32, #tpu.memory_space<hbm>>
      tpu.wait_dma2 semaphore(%arg13 : memref<!tpu.dma_semaphore, #tpu.memory_space<semaphore_mem>>) src(%dma_wait3A_227 : memref<256xi32, #tpu.memory_space<hbm>>) dst(%dma_wait3A_225 : memref<256xi32, #tpu.memory_space<vmem>>)
      %dma_wait3A_228 = arith.constant 1 : i32
      %dma_wait3A_229 = arith.constant 0 : i32
      %dma_wait3A_230 = tpu.memref_slice %arg9[%dma_wait3A_228, %dma_wait3A_229] : memref<2x256xi32, #tpu.memory_space<vmem>> -> memref<1x256xi32, #tpu.memory_space<vmem>>
      %dma_wait3A_231 = tpu.memref_squeeze %dma_wait3A_230 : memref<1x256xi32, #tpu.memory_space<vmem>> -> memref<256xi32, #tpu.memory_space<vmem>>
      %dma_wait3A_232 = arith.constant 0 : i32
      %dma_wait3A_233 = tpu.memref_slice %arg3[%dma_wait3A_232] : memref<819200xi32, #tpu.memory_space<hbm>> -> memref<256xi32, #tpu.memory_space<hbm>>
      %dma_wait3A_234 = arith.constant 0 : i32
      %dma_wait3A_235 = tpu.memref_slice %arg9[%dma_wait3A_228, %dma_wait3A_234] : memref<2x256xi32, #tpu.memory_space<vmem>> -> memref<1x256xi32, #tpu.memory_space<vmem>>
      %dma_wait3A_236 = tpu.memref_squeeze %dma_wait3A_235 : memref<1x256xi32, #tpu.memory_space<vmem>> -> memref<256xi32, #tpu.memory_space<vmem>>
      %dma_wait3A_237 = arith.constant 0 : i32
      %dma_wait3A_238 = tpu.memref_slice %arg3[%dma_wait3A_237] : memref<819200xi32, #tpu.memory_space<hbm>> -> memref<256xi32, #tpu.memory_space<hbm>>
      tpu.wait_dma2 semaphore(%arg13 : memref<!tpu.dma_semaphore, #tpu.memory_space<semaphore_mem>>) src(%dma_wait3A_238 : memref<256xi32, #tpu.memory_space<hbm>>) dst(%dma_wait3A_236 : memref<256xi32, #tpu.memory_space<vmem>>)
      %dma_wait3A_239 = arith.constant 1 : i32
      %dma_wait3A_240 = arith.constant 0 : i32
      %dma_wait3A_241 = tpu.memref_slice %arg10[%dma_wait3A_239, %dma_wait3A_240] : memref<2x256xi32, #tpu.memory_space<vmem>> -> memref<1x256xi32, #tpu.memory_space<vmem>>
      %dma_wait3A_242 = tpu.memref_squeeze %dma_wait3A_241 : memref<1x256xi32, #tpu.memory_space<vmem>> -> memref<256xi32, #tpu.memory_space<vmem>>
      %dma_wait3A_243 = arith.constant 0 : i32
      %dma_wait3A_244 = tpu.memref_slice %arg3[%dma_wait3A_243] : memref<819200xi32, #tpu.memory_space<hbm>> -> memref<256xi32, #tpu.memory_space<hbm>>
      %dma_wait3A_245 = arith.constant 0 : i32
      %dma_wait3A_246 = tpu.memref_slice %arg10[%dma_wait3A_239, %dma_wait3A_245] : memref<2x256xi32, #tpu.memory_space<vmem>> -> memref<1x256xi32, #tpu.memory_space<vmem>>
      %dma_wait3A_247 = tpu.memref_squeeze %dma_wait3A_246 : memref<1x256xi32, #tpu.memory_space<vmem>> -> memref<256xi32, #tpu.memory_space<vmem>>
      %dma_wait3A_248 = arith.constant 0 : i32
      %dma_wait3A_249 = tpu.memref_slice %arg3[%dma_wait3A_248] : memref<819200xi32, #tpu.memory_space<hbm>> -> memref<256xi32, #tpu.memory_space<hbm>>
      tpu.wait_dma2 semaphore(%arg13 : memref<!tpu.dma_semaphore, #tpu.memory_space<semaphore_mem>>) src(%dma_wait3A_249 : memref<256xi32, #tpu.memory_space<hbm>>) dst(%dma_wait3A_247 : memref<256xi32, #tpu.memory_space<vmem>>)
      %add3A_250 = arith.constant 1 : i32
      %add3A_251 = arith.addi %add3A_216, %add3A_250 : i32
      %lt3A_252 = arith.constant 100 : i32
      %lt3A_253 = arith.cmpi slt, %add3A_251, %lt3A_252 : i32
      %convert_element_type3A_254 = arith.extui %lt3A_253 : i1 to i32
      %cond3A_255 = arith.constant 0 : i32
      %cond3A_256 = arith.cmpi ne, %convert_element_type3A_254, %cond3A_255 : i32
      scf.if %cond3A_256 {
        %add3A_318 = arith.constant 1 : i32
        %add3A_319 = arith.addi %add3A_216, %add3A_318 : i32
        %mul3A_320 = arith.constant 256 : i32
        %mul3A_321 = arith.muli %add3A_319, %mul3A_320 : i32
        %add3A_322 = arith.addi %mul3A_2, %mul3A_321 : i32
        %dma_start3A_323 = arith.constant 0 : i32
        %dma_start3A_324 = arith.constant 0 : i32
        %dma_start3A_325 = tpu.memref_slice %arg8[%dma_start3A_323, %dma_start3A_324] : memref<2x256xi32, #tpu.memory_space<vmem>> -> memref<1x256xi32, #tpu.memory_space<vmem>>
        %dma_start3A_326 = tpu.memref_squeeze %dma_start3A_325 : memref<1x256xi32, #tpu.memory_space<vmem>> -> memref<256xi32, #tpu.memory_space<vmem>>
        %dma_start3A_327 = tpu.memref_slice %arg3[%add3A_322] : memref<819200xi32, #tpu.memory_space<hbm>> -> memref<256xi32, #tpu.memory_space<hbm>>
        %dma_start3A_328 = arith.constant 0 : i32
        %dma_start3A_329 = tpu.memref_slice %arg8[%dma_start3A_323, %dma_start3A_328] : memref<2x256xi32, #tpu.memory_space<vmem>> -> memref<1x256xi32, #tpu.memory_space<vmem>>
        %dma_start3A_330 = tpu.memref_squeeze %dma_start3A_329 : memref<1x256xi32, #tpu.memory_space<vmem>> -> memref<256xi32, #tpu.memory_space<vmem>>
        %dma_start3A_331 = tpu.memref_slice %arg3[%add3A_322] : memref<819200xi32, #tpu.memory_space<hbm>> -> memref<256xi32, #tpu.memory_space<hbm>>
        tpu.enqueue_dma source(%dma_start3A_331 : memref<256xi32, #tpu.memory_space<hbm>>) target(%dma_start3A_330 : memref<256xi32, #tpu.memory_space<vmem>>) target_semaphore(%arg13 : memref<!tpu.dma_semaphore, #tpu.memory_space<semaphore_mem>>)
        %dma_start3A_332 = arith.constant 0 : i32
        %dma_start3A_333 = arith.constant 0 : i32
        %dma_start3A_334 = tpu.memref_slice %arg9[%dma_start3A_332, %dma_start3A_333] : memref<2x256xi32, #tpu.memory_space<vmem>> -> memref<1x256xi32, #tpu.memory_space<vmem>>
        %dma_start3A_335 = tpu.memref_squeeze %dma_start3A_334 : memref<1x256xi32, #tpu.memory_space<vmem>> -> memref<256xi32, #tpu.memory_space<vmem>>
        %dma_start3A_336 = tpu.memref_slice %arg4[%add3A_322] : memref<819200xi32, #tpu.memory_space<hbm>> -> memref<256xi32, #tpu.memory_space<hbm>>
        %dma_start3A_337 = arith.constant 0 : i32
        %dma_start3A_338 = tpu.memref_slice %arg9[%dma_start3A_332, %dma_start3A_337] : memref<2x256xi32, #tpu.memory_space<vmem>> -> memref<1x256xi32, #tpu.memory_space<vmem>>
        %dma_start3A_339 = tpu.memref_squeeze %dma_start3A_338 : memref<1x256xi32, #tpu.memory_space<vmem>> -> memref<256xi32, #tpu.memory_space<vmem>>
        %dma_start3A_340 = tpu.memref_slice %arg4[%add3A_322] : memref<819200xi32, #tpu.memory_space<hbm>> -> memref<256xi32, #tpu.memory_space<hbm>>
        tpu.enqueue_dma source(%dma_start3A_340 : memref<256xi32, #tpu.memory_space<hbm>>) target(%dma_start3A_339 : memref<256xi32, #tpu.memory_space<vmem>>) target_semaphore(%arg13 : memref<!tpu.dma_semaphore, #tpu.memory_space<semaphore_mem>>)
        %dma_start3A_341 = arith.constant 0 : i32
        %dma_start3A_342 = arith.constant 0 : i32
        %dma_start3A_343 = tpu.memref_slice %arg10[%dma_start3A_341, %dma_start3A_342] : memref<2x256xi32, #tpu.memory_space<vmem>> -> memref<1x256xi32, #tpu.memory_space<vmem>>
        %dma_start3A_344 = tpu.memref_squeeze %dma_start3A_343 : memref<1x256xi32, #tpu.memory_space<vmem>> -> memref<256xi32, #tpu.memory_space<vmem>>
        %dma_start3A_345 = tpu.memref_slice %arg5[%add3A_322] : memref<819200xi32, #tpu.memory_space<hbm>> -> memref<256xi32, #tpu.memory_space<hbm>>
        %dma_start3A_346 = arith.constant 0 : i32
        %dma_start3A_347 = tpu.memref_slice %arg10[%dma_start3A_341, %dma_start3A_346] : memref<2x256xi32, #tpu.memory_space<vmem>> -> memref<1x256xi32, #tpu.memory_space<vmem>>
        %dma_start3A_348 = tpu.memref_squeeze %dma_start3A_347 : memref<1x256xi32, #tpu.memory_space<vmem>> -> memref<256xi32, #tpu.memory_space<vmem>>
        %dma_start3A_349 = tpu.memref_slice %arg5[%add3A_322] : memref<819200xi32, #tpu.memory_space<hbm>> -> memref<256xi32, #tpu.memory_space<hbm>>
        tpu.enqueue_dma source(%dma_start3A_349 : memref<256xi32, #tpu.memory_space<hbm>>) target(%dma_start3A_348 : memref<256xi32, #tpu.memory_space<vmem>>) target_semaphore(%arg13 : memref<!tpu.dma_semaphore, #tpu.memory_space<semaphore_mem>>)
      } else {
      }
      %scan3A_257 = arith.constant 1 : i32
      %scan3A_258 = arith.constant 1 : i32
      %scan3A_259 = arith.constant 1 : i32
      %scan3A_260 = arith.constant 1 : i32
      %scan3A_261 = arith.constant 0 : i32
      %scan3A_262 = arith.constant 0 : i32
      %scan3A_263 = arith.constant 0 : i32
      %scan3A_264 = arith.constant 8 : i32
      %scan3A_265 = arith.addi %scan3A_263, %scan3A_264 : i32
      %scan3A_266 = arith.constant 1 : i32
      %scan3A_267 = scf.for %scan3A_318 = %scan3A_263 to %scan3A_265 step %scan3A_266 iter_args(%scan3A_319 = %scan3A_262) -> (i32)  : i32 {
        %mul3A_320 = arith.constant 16 : i32
        %mul3A_321 = arith.muli %scan3A_318, %mul3A_320 : i32
        %add3A_322 = arith.constant 0 : i32
        %add3A_323 = arith.addi %add3A_322, %mul3A_321 : i32
        %mul3A_324 = arith.constant 16 : i32
        %mul3A_325 = arith.muli %scan3A_318, %mul3A_324 : i32
        %get3A = arith.constant 0 : i32
        %get3A_326 = tpu.memref_slice %arg8[%scan3A_257, %get3A] : memref<2x256xi32, #tpu.memory_space<vmem>> -> memref<1x256xi32, #tpu.memory_space<vmem>>
        %get3A_327 = tpu.memref_squeeze %get3A_326 : memref<1x256xi32, #tpu.memory_space<vmem>> -> memref<256xi32, #tpu.memory_space<vmem>>
        %get3A_328 = arith.index_cast %add3A_323 : i32 to index
        %get3A_329 = tpu.vector_load %get3A_327[%get3A_328] {strides = array<i32>} : memref<256xi32, #tpu.memory_space<vmem>>, vector<16xi32>,
        %get3A_330 = vector.shape_cast %get3A_329 : vector<16xi32> to vector<16xi32>
        %jit3A = arith.constant 0 : i32
        %jit3A_331 = arith.constant 2 : i32
        %max3A = vector.broadcast %jit3A : i32 to vector<16xi32>
        %max3A_332 = arith.maxsi %max3A, %get3A_330 : vector<16xi32>
        %min3A = vector.broadcast %jit3A_331 : i32 to vector<16xi32>
        %min3A_333 = arith.minsi %min3A, %max3A_332 : vector<16xi32>
        %get3A_334 = arith.constant 0 : i32
        %get3A_335 = tpu.memref_slice %arg9[%scan3A_258, %get3A_334] : memref<2x256xi32, #tpu.memory_space<vmem>> -> memref<1x256xi32, #tpu.memory_space<vmem>>
        %get3A_336 = tpu.memref_squeeze %get3A_335 : memref<1x256xi32, #tpu.memory_space<vmem>> -> memref<256xi32, #tpu.memory_space<vmem>>
        %get3A_337 = arith.index_cast %add3A_323 : i32 to index
        %get3A_338 = tpu.vector_load %get3A_336[%get3A_337] {strides = array<i32>} : memref<256xi32, #tpu.memory_space<vmem>>, vector<16xi32>,
        %get3A_339 = vector.shape_cast %get3A_338 : vector<16xi32> to vector<16xi32>
        %jit3A_340 = arith.constant 0 : i32
        %jit3A_341 = arith.constant 6 : i32
        %max3A_342 = vector.broadcast %jit3A_340 : i32 to vector<16xi32>
        %max3A_343 = arith.maxsi %max3A_342, %get3A_339 : vector<16xi32>
        %min3A_344 = vector.broadcast %jit3A_341 : i32 to vector<16xi32>
        %min3A_345 = arith.minsi %min3A_344, %max3A_343 : vector<16xi32>
        %get3A_346 = arith.constant 0 : i32
        %get3A_347 = tpu.memref_slice %arg10[%scan3A_259, %get3A_346] : memref<2x256xi32, #tpu.memory_space<vmem>> -> memref<1x256xi32, #tpu.memory_space<vmem>>
        %get3A_348 = tpu.memref_squeeze %get3A_347 : memref<1x256xi32, #tpu.memory_space<vmem>> -> memref<256xi32, #tpu.memory_space<vmem>>
        %get3A_349 = arith.index_cast %add3A_323 : i32 to index
        %get3A_350 = tpu.vector_load %get3A_348[%get3A_349] {strides = array<i32>} : memref<256xi32, #tpu.memory_space<vmem>>, vector<16xi32>,
        %get3A_351 = vector.shape_cast %get3A_350 : vector<16xi32> to vector<16xi32>
        %jit3A_352 = arith.constant 0 : i32
        %jit3A_353 = arith.constant 1 : i32
        %max3A_354 = vector.broadcast %jit3A_352 : i32 to vector<16xi32>
        %max3A_355 = arith.maxsi %max3A_354, %get3A_351 : vector<16xi32>
        %min3A_356 = vector.broadcast %jit3A_353 : i32 to vector<16xi32>
        %min3A_357 = arith.minsi %min3A_356, %max3A_355 : vector<16xi32>
        %mul3A_358 = arith.constant 14 : i32
        %mul3A_359 = vector.broadcast %mul3A_358 : i32 to vector<16xi32>
        %mul3A_360 = arith.muli %min3A_333, %mul3A_359 : vector<16xi32>
        %mul3A_361 = arith.constant 2 : i32
        %mul3A_362 = vector.broadcast %mul3A_361 : i32 to vector<16xi32>
        %mul3A_363 = arith.muli %min3A_345, %mul3A_362 : vector<16xi32>
        %add3A_364 = arith.addi %mul3A_360, %mul3A_363 : vector<16xi32>
        %add3A_365 = arith.addi %add3A_364, %min3A_357 : vector<16xi32>
        %swap3A = arith.constant 0 : i32
        %swap3A_366 = tpu.memref_slice %arg11[%scan3A_260, %scan3A_261, %swap3A] : memref<2x2x128xi32, #tpu.memory_space<vmem>> -> memref<1x1x128xi32, #tpu.memory_space<vmem>>
        %swap3A_367 = tpu.memref_squeeze %swap3A_366 : memref<1x1x128xi32, #tpu.memory_space<vmem>> -> memref<128xi32, #tpu.memory_space<vmem>>
        %swap3A_368 = arith.index_cast %mul3A_325 : i32 to index
        %swap3A_369 = tpu.vector_load %swap3A_367[%swap3A_368] {strides = array<i32>} : memref<128xi32, #tpu.memory_space<vmem>>, vector<16xi32>,
        %swap3A_370 = vector.shape_cast %swap3A_369 : vector<16xi32> to vector<16xi32>
        %swap3A_371 = vector.shape_cast %add3A_365 : vector<16xi32> to vector<16xi32>
        tpu.vector_store %swap3A_367[%swap3A_368], %swap3A_371 {strides = array<i32>} : memref<128xi32, #tpu.memory_space<vmem>>, vector<16xi32>,
        %scan3A_372 = arith.constant 0 : i32
        scf.yield %scan3A_372 : i32
      }
      %scan3A_268 = arith.constant 8 : i32
      %scan3A_269 = arith.constant 1 : i32
      %scan3A_270 = arith.constant 1 : i32
      %scan3A_271 = arith.constant 1 : i32
      %scan3A_272 = arith.constant 1 : i32
      %scan3A_273 = arith.constant 1 : i32
      %scan3A_274 = arith.constant 0 : i32
      %scan3A_275 = arith.constant 0 : i32
      %scan3A_276 = arith.constant 8 : i32
      %scan3A_277 = arith.addi %scan3A_275, %scan3A_276 : i32
      %scan3A_278 = arith.constant 1 : i32
      %scan3A_279 = scf.for %scan3A_318 = %scan3A_275 to %scan3A_277 step %scan3A_278 iter_args(%scan3A_319 = %scan3A_274) -> (i32)  : i32 {
        %mul3A_320 = arith.constant 16 : i32
        %mul3A_321 = arith.muli %scan3A_318, %mul3A_320 : i32
        %add3A_322 = arith.constant 128 : i32
        %add3A_323 = arith.addi %add3A_322, %mul3A_321 : i32
        %mul3A_324 = arith.constant 16 : i32
        %mul3A_325 = arith.muli %scan3A_318, %mul3A_324 : i32
        %get3A = arith.constant 0 : i32
        %get3A_326 = tpu.memref_slice %arg8[%scan3A_269, %get3A] : memref<2x256xi32, #tpu.memory_space<vmem>> -> memref<1x256xi32, #tpu.memory_space<vmem>>
        %get3A_327 = tpu.memref_squeeze %get3A_326 : memref<1x256xi32, #tpu.memory_space<vmem>> -> memref<256xi32, #tpu.memory_space<vmem>>
        %get3A_328 = arith.index_cast %add3A_323 : i32 to index
        %get3A_329 = tpu.vector_load %get3A_327[%get3A_328] {strides = array<i32>} : memref<256xi32, #tpu.memory_space<vmem>>, vector<16xi32>,
        %get3A_330 = vector.shape_cast %get3A_329 : vector<16xi32> to vector<16xi32>
        %jit3A = arith.constant 0 : i32
        %jit3A_331 = arith.constant 2 : i32
        %max3A = vector.broadcast %jit3A : i32 to vector<16xi32>
        %max3A_332 = arith.maxsi %max3A, %get3A_330 : vector<16xi32>
        %min3A = vector.broadcast %jit3A_331 : i32 to vector<16xi32>
        %min3A_333 = arith.minsi %min3A, %max3A_332 : vector<16xi32>
        %get3A_334 = arith.constant 0 : i32
        %get3A_335 = tpu.memref_slice %arg9[%scan3A_270, %get3A_334] : memref<2x256xi32, #tpu.memory_space<vmem>> -> memref<1x256xi32, #tpu.memory_space<vmem>>
        %get3A_336 = tpu.memref_squeeze %get3A_335 : memref<1x256xi32, #tpu.memory_space<vmem>> -> memref<256xi32, #tpu.memory_space<vmem>>
        %get3A_337 = arith.index_cast %add3A_323 : i32 to index
        %get3A_338 = tpu.vector_load %get3A_336[%get3A_337] {strides = array<i32>} : memref<256xi32, #tpu.memory_space<vmem>>, vector<16xi32>,
        %get3A_339 = vector.shape_cast %get3A_338 : vector<16xi32> to vector<16xi32>
        %jit3A_340 = arith.constant 0 : i32
        %jit3A_341 = arith.constant 6 : i32
        %max3A_342 = vector.broadcast %jit3A_340 : i32 to vector<16xi32>
        %max3A_343 = arith.maxsi %max3A_342, %get3A_339 : vector<16xi32>
        %min3A_344 = vector.broadcast %jit3A_341 : i32 to vector<16xi32>
        %min3A_345 = arith.minsi %min3A_344, %max3A_343 : vector<16xi32>
        %get3A_346 = arith.constant 0 : i32
        %get3A_347 = tpu.memref_slice %arg10[%scan3A_271, %get3A_346] : memref<2x256xi32, #tpu.memory_space<vmem>> -> memref<1x256xi32, #tpu.memory_space<vmem>>
        %get3A_348 = tpu.memref_squeeze %get3A_347 : memref<1x256xi32, #tpu.memory_space<vmem>> -> memref<256xi32, #tpu.memory_space<vmem>>
        %get3A_349 = arith.index_cast %add3A_323 : i32 to index
        %get3A_350 = tpu.vector_load %get3A_348[%get3A_349] {strides = array<i32>} : memref<256xi32, #tpu.memory_space<vmem>>, vector<16xi32>,
        %get3A_351 = vector.shape_cast %get3A_350 : vector<16xi32> to vector<16xi32>
        %jit3A_352 = arith.constant 0 : i32
        %jit3A_353 = arith.constant 1 : i32
        %max3A_354 = vector.broadcast %jit3A_352 : i32 to vector<16xi32>
        %max3A_355 = arith.maxsi %max3A_354, %get3A_351 : vector<16xi32>
        %min3A_356 = vector.broadcast %jit3A_353 : i32 to vector<16xi32>
        %min3A_357 = arith.minsi %min3A_356, %max3A_355 : vector<16xi32>
        %mul3A_358 = arith.constant 14 : i32
        %mul3A_359 = vector.broadcast %mul3A_358 : i32 to vector<16xi32>
        %mul3A_360 = arith.muli %min3A_333, %mul3A_359 : vector<16xi32>
        %mul3A_361 = arith.constant 2 : i32
        %mul3A_362 = vector.broadcast %mul3A_361 : i32 to vector<16xi32>
        %mul3A_363 = arith.muli %min3A_345, %mul3A_362 : vector<16xi32>
        %add3A_364 = arith.addi %mul3A_360, %mul3A_363 : vector<16xi32>
        %add3A_365 = arith.addi %add3A_364, %min3A_357 : vector<16xi32>
        %swap3A = arith.constant 0 : i32
        %swap3A_366 = tpu.memref_slice %arg11[%scan3A_272, %scan3A_273, %swap3A] : memref<2x2x128xi32, #tpu.memory_space<vmem>> -> memref<1x1x128xi32, #tpu.memory_space<vmem>>
        %swap3A_367 = tpu.memref_squeeze %swap3A_366 : memref<1x1x128xi32, #tpu.memory_space<vmem>> -> memref<128xi32, #tpu.memory_space<vmem>>
        %swap3A_368 = arith.index_cast %mul3A_325 : i32 to index
        %swap3A_369 = tpu.vector_load %swap3A_367[%swap3A_368] {strides = array<i32>} : memref<128xi32, #tpu.memory_space<vmem>>, vector<16xi32>,
        %swap3A_370 = vector.shape_cast %swap3A_369 : vector<16xi32> to vector<16xi32>
        %swap3A_371 = vector.shape_cast %add3A_365 : vector<16xi32> to vector<16xi32>
        tpu.vector_store %swap3A_367[%swap3A_368], %swap3A_371 {strides = array<i32>} : memref<128xi32, #tpu.memory_space<vmem>>, vector<16xi32>,
        %scan3A_372 = arith.constant 0 : i32
        scf.yield %scan3A_372 : i32
      }
      %scan3A_280 = arith.constant 8 : i32
      %ge3A_281 = arith.constant 2 : i32
      %ge3A_282 = arith.cmpi sge, %add3A_216, %ge3A_281 : i32
      %convert_element_type3A_283 = arith.extui %ge3A_282 : i1 to i32
      %cond3A_284 = arith.constant 0 : i32
      %cond3A_285 = arith.cmpi ne, %convert_element_type3A_283, %cond3A_284 : i32
      scf.if %cond3A_285 {
        %dma_wait3A_318 = arith.constant 1 : i32
        %dma_wait3A_319 = arith.constant 0 : i32
        %dma_wait3A_320 = arith.constant 0 : i32
        %dma_wait3A_321 = tpu.memref_slice %arg12[%dma_wait3A_318, %dma_wait3A_319, %dma_wait3A_320] : memref<2x256x128xf32, #tpu.memory_space<vmem>> -> memref<1x256x128xf32, #tpu.memory_space<vmem>>
        %dma_wait3A_322 = tpu.memref_squeeze %dma_wait3A_321 : memref<1x256x128xf32, #tpu.memory_space<vmem>> -> memref<256x128xf32, #tpu.memory_space<vmem>>
        %dma_wait3A_323 = arith.constant 0 : i32
        %dma_wait3A_324 = arith.constant 0 : i32
        %dma_wait3A_325 = tpu.memref_slice %arg6[%dma_wait3A_323, %dma_wait3A_324] : memref<819200x128xf32, #tpu.memory_space<hbm>> -> memref<256x128xf32, #tpu.memory_space<hbm>>
        %dma_wait3A_326 = arith.constant 0 : i32
        %dma_wait3A_327 = arith.constant 0 : i32
        %dma_wait3A_328 = tpu.memref_slice %arg6[%dma_wait3A_326, %dma_wait3A_327] : memref<819200x128xf32, #tpu.memory_space<hbm>> -> memref<256x128xf32, #tpu.memory_space<hbm>>
        %dma_wait3A_329 = arith.constant 0 : i32
        %dma_wait3A_330 = arith.constant 0 : i32
        %dma_wait3A_331 = tpu.memref_slice %arg12[%dma_wait3A_318, %dma_wait3A_329, %dma_wait3A_330] : memref<2x256x128xf32, #tpu.memory_space<vmem>> -> memref<1x256x128xf32, #tpu.memory_space<vmem>>
        %dma_wait3A_332 = tpu.memref_squeeze %dma_wait3A_331 : memref<1x256x128xf32, #tpu.memory_space<vmem>> -> memref<256x128xf32, #tpu.memory_space<vmem>>
        tpu.wait_dma2 semaphore(%arg17 : memref<!tpu.dma_semaphore, #tpu.memory_space<semaphore_mem>>) src(%dma_wait3A_332 : memref<256x128xf32, #tpu.memory_space<vmem>>) dst(%dma_wait3A_328 : memref<256x128xf32, #tpu.memory_space<hbm>>)
      } else {
      }
      %dma_start3A_286 = arith.constant 1 : i32
      %dma_start3A_287 = arith.constant 0 : i32
      %dma_start3A_288 = arith.constant 1 : i32
      %dma_start3A_289 = arith.constant 0 : i32
      %dma_start3A_290 = arith.constant 0 : i32
      %dma_start3A_291 = tpu.memref_slice %arg12[%dma_start3A_288, %dma_start3A_289, %dma_start3A_290] : memref<2x256x128xf32, #tpu.memory_space<vmem>> -> memref<1x128x128xf32, #tpu.memory_space<vmem>>
      %dma_start3A_292 = tpu.memref_squeeze %dma_start3A_291 : memref<1x128x128xf32, #tpu.memory_space<vmem>> -> memref<128x128xf32, #tpu.memory_space<vmem>>
      %dma_start3A_293 = arith.constant 0 : i32
      %dma_start3A_294 = tpu.memref_slice %arg11[%dma_start3A_286, %dma_start3A_287, %dma_start3A_293] : memref<2x2x128xi32, #tpu.memory_space<vmem>> -> memref<1x1x128xi32, #tpu.memory_space<vmem>>
      %dma_start3A_295 = tpu.memref_squeeze %dma_start3A_294 : memref<1x1x128xi32, #tpu.memory_space<vmem>> -> memref<128xi32, #tpu.memory_space<vmem>>
      %dma_start3A_296 = arith.constant 0 : i32
      %dma_start3A_297 = arith.constant 0 : i32
      %dma_start3A_298 = tpu.memref_slice %arg7[%dma_start3A_296, %dma_start3A_297] : memref<42x128xf32, #tpu.memory_space<vmem_shared>> -> memref<42x128xf32, #tpu.memory_space<vmem_shared>>
      tpu.enqueue_indirect_dma source(%dma_start3A_298 : memref<42x128xf32, #tpu.memory_space<vmem_shared>>) target(%dma_start3A_292 : memref<128x128xf32, #tpu.memory_space<vmem>>) offsets(%dma_start3A_295 : memref<128xi32, #tpu.memory_space<vmem>>) semaphore(%arg15 : memref<!tpu.dma_semaphore, #tpu.memory_space<semaphore_mem>>)
      %dma_start3A_299 = arith.constant 1 : i32
      %dma_start3A_300 = arith.constant 1 : i32
      %dma_start3A_301 = arith.constant 1 : i32
      %dma_start3A_302 = arith.constant 128 : i32
      %dma_start3A_303 = arith.constant 0 : i32
      %dma_start3A_304 = tpu.memref_slice %arg12[%dma_start3A_301, %dma_start3A_302, %dma_start3A_303] : memref<2x256x128xf32, #tpu.memory_space<vmem>> -> memref<1x128x128xf32, #tpu.memory_space<vmem>>
      %dma_start3A_305 = tpu.memref_squeeze %dma_start3A_304 : memref<1x128x128xf32, #tpu.memory_space<vmem>> -> memref<128x128xf32, #tpu.memory_space<vmem>>
      %dma_start3A_306 = arith.constant 0 : i32
      %dma_start3A_307 = tpu.memref_slice %arg11[%dma_start3A_299, %dma_start3A_300, %dma_start3A_306] : memref<2x2x128xi32, #tpu.memory_space<vmem>> -> memref<1x1x128xi32, #tpu.memory_space<vmem>>
      %dma_start3A_308 = tpu.memref_squeeze %dma_start3A_307 : memref<1x1x128xi32, #tpu.memory_space<vmem>> -> memref<128xi32, #tpu.memory_space<vmem>>
      %dma_start3A_309 = arith.constant 0 : i32
      %dma_start3A_310 = arith.constant 0 : i32
      %dma_start3A_311 = tpu.memref_slice %arg7[%dma_start3A_309, %dma_start3A_310] : memref<42x128xf32, #tpu.memory_space<vmem_shared>> -> memref<42x128xf32, #tpu.memory_space<vmem_shared>>
      tpu.enqueue_indirect_dma source(%dma_start3A_311 : memref<42x128xf32, #tpu.memory_space<vmem_shared>>) target(%dma_start3A_305 : memref<128x128xf32, #tpu.memory_space<vmem>>) offsets(%dma_start3A_308 : memref<128xi32, #tpu.memory_space<vmem>>) semaphore(%arg15 : memref<!tpu.dma_semaphore, #tpu.memory_space<semaphore_mem>>)
      %ge3A_312 = arith.constant 1 : i32
      %ge3A_313 = arith.cmpi sge, %add3A_216, %ge3A_312 : i32
      %convert_element_type3A_314 = arith.extui %ge3A_313 : i1 to i32
      %cond3A_315 = arith.constant 0 : i32
      %cond3A_316 = arith.cmpi ne, %convert_element_type3A_314, %cond3A_315 : i32
      scf.if %cond3A_316 {
        %dma_wait3A_318 = arith.constant 0 : i32
        %dma_wait3A_319 = arith.constant 0 : i32
        %dma_wait3A_320 = arith.constant 0 : i32
        %dma_wait3A_321 = arith.constant 0 : i32
        %dma_wait3A_322 = arith.constant 0 : i32
        %dma_wait3A_323 = tpu.memref_slice %arg12[%dma_wait3A_320, %dma_wait3A_321, %dma_wait3A_322] : memref<2x256x128xf32, #tpu.memory_space<vmem>> -> memref<1x128x128xf32, #tpu.memory_space<vmem>>
        %dma_wait3A_324 = tpu.memref_squeeze %dma_wait3A_323 : memref<1x128x128xf32, #tpu.memory_space<vmem>> -> memref<128x128xf32, #tpu.memory_space<vmem>>
        %dma_wait3A_325 = arith.constant 0 : i32
        %dma_wait3A_326 = tpu.memref_slice %arg11[%dma_wait3A_318, %dma_wait3A_319, %dma_wait3A_325] : memref<2x2x128xi32, #tpu.memory_space<vmem>> -> memref<1x1x128xi32, #tpu.memory_space<vmem>>
        %dma_wait3A_327 = tpu.memref_squeeze %dma_wait3A_326 : memref<1x1x128xi32, #tpu.memory_space<vmem>> -> memref<128xi32, #tpu.memory_space<vmem>>
        %dma_wait3A_328 = arith.constant 0 : i32
        %dma_wait3A_329 = arith.constant 0 : i32
        %dma_wait3A_330 = tpu.memref_slice %arg7[%dma_wait3A_328, %dma_wait3A_329] : memref<42x128xf32, #tpu.memory_space<vmem_shared>> -> memref<42x128xf32, #tpu.memory_space<vmem_shared>>
        tpu.wait_indirect_dma semaphore(%arg14 : memref<!tpu.dma_semaphore, #tpu.memory_space<semaphore_mem>>) src(%dma_wait3A_330 : memref<42x128xf32, #tpu.memory_space<vmem_shared>>) dst(%dma_wait3A_324 : memref<128x128xf32, #tpu.memory_space<vmem>>)
        %dma_wait3A_331 = arith.constant 0 : i32
        %dma_wait3A_332 = arith.constant 1 : i32
        %dma_wait3A_333 = arith.constant 0 : i32
        %dma_wait3A_334 = arith.constant 128 : i32
        %dma_wait3A_335 = arith.constant 0 : i32
        %dma_wait3A_336 = tpu.memref_slice %arg12[%dma_wait3A_333, %dma_wait3A_334, %dma_wait3A_335] : memref<2x256x128xf32, #tpu.memory_space<vmem>> -> memref<1x128x128xf32, #tpu.memory_space<vmem>>
        %dma_wait3A_337 = tpu.memref_squeeze %dma_wait3A_336 : memref<1x128x128xf32, #tpu.memory_space<vmem>> -> memref<128x128xf32, #tpu.memory_space<vmem>>
        %dma_wait3A_338 = arith.constant 0 : i32
        %dma_wait3A_339 = tpu.memref_slice %arg11[%dma_wait3A_331, %dma_wait3A_332, %dma_wait3A_338] : memref<2x2x128xi32, #tpu.memory_space<vmem>> -> memref<1x1x128xi32, #tpu.memory_space<vmem>>
        %dma_wait3A_340 = tpu.memref_squeeze %dma_wait3A_339 : memref<1x1x128xi32, #tpu.memory_space<vmem>> -> memref<128xi32, #tpu.memory_space<vmem>>
        %dma_wait3A_341 = arith.constant 0 : i32
        %dma_wait3A_342 = arith.constant 0 : i32
        %dma_wait3A_343 = tpu.memref_slice %arg7[%dma_wait3A_341, %dma_wait3A_342] : memref<42x128xf32, #tpu.memory_space<vmem_shared>> -> memref<42x128xf32, #tpu.memory_space<vmem_shared>>
        tpu.wait_indirect_dma semaphore(%arg14 : memref<!tpu.dma_semaphore, #tpu.memory_space<semaphore_mem>>) src(%dma_wait3A_343 : memref<42x128xf32, #tpu.memory_space<vmem_shared>>) dst(%dma_wait3A_337 : memref<128x128xf32, #tpu.memory_space<vmem>>)
        %sub3A = arith.constant 1 : i32
        %sub3A_344 = arith.subi %add3A_216, %sub3A : i32
        %mul3A_345 = arith.constant 256 : i32
        %mul3A_346 = arith.muli %sub3A_344, %mul3A_345 : i32
        %add3A_347 = arith.addi %mul3A_2, %mul3A_346 : i32
        %dma_start3A_348 = arith.constant 0 : i32
        %dma_start3A_349 = arith.constant 0 : i32
        %dma_start3A_350 = arith.constant 0 : i32
        %dma_start3A_351 = tpu.memref_slice %arg12[%dma_start3A_348, %dma_start3A_349, %dma_start3A_350] : memref<2x256x128xf32, #tpu.memory_space<vmem>> -> memref<1x256x128xf32, #tpu.memory_space<vmem>>
        %dma_start3A_352 = tpu.memref_squeeze %dma_start3A_351 : memref<1x256x128xf32, #tpu.memory_space<vmem>> -> memref<256x128xf32, #tpu.memory_space<vmem>>
        %dma_start3A_353 = arith.constant 0 : i32
        %dma_start3A_354 = tpu.memref_slice %arg6[%add3A_347, %dma_start3A_353] : memref<819200x128xf32, #tpu.memory_space<hbm>> -> memref<256x128xf32, #tpu.memory_space<hbm>>
        %dma_start3A_355 = arith.constant 0 : i32
        %dma_start3A_356 = tpu.memref_slice %arg6[%add3A_347, %dma_start3A_355] : memref<819200x128xf32, #tpu.memory_space<hbm>> -> memref<256x128xf32, #tpu.memory_space<hbm>>
        %dma_start3A_357 = arith.constant 0 : i32
        %dma_start3A_358 = arith.constant 0 : i32
        %dma_start3A_359 = tpu.memref_slice %arg12[%dma_start3A_348, %dma_start3A_357, %dma_start3A_358] : memref<2x256x128xf32, #tpu.memory_space<vmem>> -> memref<1x256x128xf32, #tpu.memory_space<vmem>>
        %dma_start3A_360 = tpu.memref_squeeze %dma_start3A_359 : memref<1x256x128xf32, #tpu.memory_space<vmem>> -> memref<256x128xf32, #tpu.memory_space<vmem>>
        tpu.enqueue_dma source(%dma_start3A_360 : memref<256x128xf32, #tpu.memory_space<vmem>>) target(%dma_start3A_356 : memref<256x128xf32, #tpu.memory_space<hbm>>) target_semaphore(%arg16 : memref<!tpu.dma_semaphore, #tpu.memory_space<semaphore_mem>>)
      } else {
      }
      %scan3A_317 = arith.constant 0 : i32
      scf.yield %scan3A_317 : i32
    }
    %scan3A_38 = arith.constant 50 : i32
    %dma_wait3A = arith.constant 1 : i32
    %dma_wait3A_39 = arith.constant 0 : i32
    %dma_wait3A_40 = arith.constant 1 : i32
    %dma_wait3A_41 = arith.constant 0 : i32
    %dma_wait3A_42 = arith.constant 0 : i32
    %dma_wait3A_43 = tpu.memref_slice %arg12[%dma_wait3A_40, %dma_wait3A_41, %dma_wait3A_42] : memref<2x256x128xf32, #tpu.memory_space<vmem>> -> memref<1x128x128xf32, #tpu.memory_space<vmem>>
    %dma_wait3A_44 = tpu.memref_squeeze %dma_wait3A_43 : memref<1x128x128xf32, #tpu.memory_space<vmem>> -> memref<128x128xf32, #tpu.memory_space<vmem>>
    %dma_wait3A_45 = arith.constant 0 : i32
    %dma_wait3A_46 = tpu.memref_slice %arg11[%dma_wait3A, %dma_wait3A_39, %dma_wait3A_45] : memref<2x2x128xi32, #tpu.memory_space<vmem>> -> memref<1x1x128xi32, #tpu.memory_space<vmem>>
    %dma_wait3A_47 = tpu.memref_squeeze %dma_wait3A_46 : memref<1x1x128xi32, #tpu.memory_space<vmem>> -> memref<128xi32, #tpu.memory_space<vmem>>
    %dma_wait3A_48 = arith.constant 0 : i32
    %dma_wait3A_49 = arith.constant 0 : i32
    %dma_wait3A_50 = tpu.memref_slice %arg7[%dma_wait3A_48, %dma_wait3A_49] : memref<42x128xf32, #tpu.memory_space<vmem_shared>> -> memref<42x128xf32, #tpu.memory_space<vmem_shared>>
    tpu.wait_indirect_dma semaphore(%arg15 : memref<!tpu.dma_semaphore, #tpu.memory_space<semaphore_mem>>) src(%dma_wait3A_50 : memref<42x128xf32, #tpu.memory_space<vmem_shared>>) dst(%dma_wait3A_44 : memref<128x128xf32, #tpu.memory_space<vmem>>)
    %dma_wait3A_51 = arith.constant 1 : i32
    %dma_wait3A_52 = arith.constant 1 : i32
    %dma_wait3A_53 = arith.constant 1 : i32
    %dma_wait3A_54 = arith.constant 128 : i32
    %dma_wait3A_55 = arith.constant 0 : i32
    %dma_wait3A_56 = tpu.memref_slice %arg12[%dma_wait3A_53, %dma_wait3A_54, %dma_wait3A_55] : memref<2x256x128xf32, #tpu.memory_space<vmem>> -> memref<1x128x128xf32, #tpu.memory_space<vmem>>
    %dma_wait3A_57 = tpu.memref_squeeze %dma_wait3A_56 : memref<1x128x128xf32, #tpu.memory_space<vmem>> -> memref<128x128xf32, #tpu.memory_space<vmem>>
    %dma_wait3A_58 = arith.constant 0 : i32
    %dma_wait3A_59 = tpu.memref_slice %arg11[%dma_wait3A_51, %dma_wait3A_52, %dma_wait3A_58] : memref<2x2x128xi32, #tpu.memory_space<vmem>> -> memref<1x1x128xi32, #tpu.memory_space<vmem>>
    %dma_wait3A_60 = tpu.memref_squeeze %dma_wait3A_59 : memref<1x1x128xi32, #tpu.memory_space<vmem>> -> memref<128xi32, #tpu.memory_space<vmem>>
    %dma_wait3A_61 = arith.constant 0 : i32
    %dma_wait3A_62 = arith.constant 0 : i32
    %dma_wait3A_63 = tpu.memref_slice %arg7[%dma_wait3A_61, %dma_wait3A_62] : memref<42x128xf32, #tpu.memory_space<vmem_shared>> -> memref<42x128xf32, #tpu.memory_space<vmem_shared>>
    tpu.wait_indirect_dma semaphore(%arg15 : memref<!tpu.dma_semaphore, #tpu.memory_space<semaphore_mem>>) src(%dma_wait3A_63 : memref<42x128xf32, #tpu.memory_space<vmem_shared>>) dst(%dma_wait3A_57 : memref<128x128xf32, #tpu.memory_space<vmem>>)
    %add3A_64 = arith.constant 25344 : i32
    %add3A_65 = arith.addi %mul3A_2, %add3A_64 : i32
    %dma_start3A_66 = arith.constant 1 : i32
    %dma_start3A_67 = arith.constant 0 : i32
    %dma_start3A_68 = arith.constant 0 : i32
    %dma_start3A_69 = tpu.memref_slice %arg12[%dma_start3A_66, %dma_start3A_67, %dma_start3A_68] : memref<2x256x128xf32, #tpu.memory_space<vmem>> -> memref<1x256x128xf32, #tpu.memory_space<vmem>>
    %dma_start3A_70 = tpu.memref_squeeze %dma_start3A_69 : memref<1x256x128xf32, #tpu.memory_space<vmem>> -> memref<256x128xf32, #tpu.memory_space<vmem>>
    %dma_start3A_71 = arith.constant 0 : i32
    %dma_start3A_72 = tpu.memref_slice %arg6[%add3A_65, %dma_start3A_71] : memref<819200x128xf32, #tpu.memory_space<hbm>> -> memref<256x128xf32, #tpu.memory_space<hbm>>
    %dma_start3A_73 = arith.constant 0 : i32
    %dma_start3A_74 = tpu.memref_slice %arg6[%add3A_65, %dma_start3A_73] : memref<819200x128xf32, #tpu.memory_space<hbm>> -> memref<256x128xf32, #tpu.memory_space<hbm>>
    %dma_start3A_75 = arith.constant 0 : i32
    %dma_start3A_76 = arith.constant 0 : i32
    %dma_start3A_77 = tpu.memref_slice %arg12[%dma_start3A_66, %dma_start3A_75, %dma_start3A_76] : memref<2x256x128xf32, #tpu.memory_space<vmem>> -> memref<1x256x128xf32, #tpu.memory_space<vmem>>
    %dma_start3A_78 = tpu.memref_squeeze %dma_start3A_77 : memref<1x256x128xf32, #tpu.memory_space<vmem>> -> memref<256x128xf32, #tpu.memory_space<vmem>>
    tpu.enqueue_dma source(%dma_start3A_78 : memref<256x128xf32, #tpu.memory_space<vmem>>) target(%dma_start3A_74 : memref<256x128xf32, #tpu.memory_space<hbm>>) target_semaphore(%arg17 : memref<!tpu.dma_semaphore, #tpu.memory_space<semaphore_mem>>)
    %dma_wait3A_79 = arith.constant 0 : i32
    %dma_wait3A_80 = arith.constant 0 : i32
    %dma_wait3A_81 = arith.constant 0 : i32
    %dma_wait3A_82 = tpu.memref_slice %arg12[%dma_wait3A_79, %dma_wait3A_80, %dma_wait3A_81] : memref<2x256x128xf32, #tpu.memory_space<vmem>> -> memref<1x256x128xf32, #tpu.memory_space<vmem>>
    %dma_wait3A_83 = tpu.memref_squeeze %dma_wait3A_82 : memref<1x256x128xf32, #tpu.memory_space<vmem>> -> memref<256x128xf32, #tpu.memory_space<vmem>>
    %dma_wait3A_84 = arith.constant 0 : i32
    %dma_wait3A_85 = arith.constant 0 : i32
    %dma_wait3A_86 = tpu.memref_slice %arg6[%dma_wait3A_84, %dma_wait3A_85] : memref<819200x128xf32, #tpu.memory_space<hbm>> -> memref<256x128xf32, #tpu.memory_space<hbm>>
    %dma_wait3A_87 = arith.constant 0 : i32
    %dma_wait3A_88 = arith.constant 0 : i32
    %dma_wait3A_89 = tpu.memref_slice %arg6[%dma_wait3A_87, %dma_wait3A_88] : memref<819200x128xf32, #tpu.memory_space<hbm>> -> memref<256x128xf32, #tpu.memory_space<hbm>>
    %dma_wait3A_90 = arith.constant 0 : i32
    %dma_wait3A_91 = arith.constant 0 : i32
    %dma_wait3A_92 = tpu.memref_slice %arg12[%dma_wait3A_79, %dma_wait3A_90, %dma_wait3A_91] : memref<2x256x128xf32, #tpu.memory_space<vmem>> -> memref<1x256x128xf32, #tpu.memory_space<vmem>>
    %dma_wait3A_93 = tpu.memref_squeeze %dma_wait3A_92 : memref<1x256x128xf32, #tpu.memory_space<vmem>> -> memref<256x128xf32, #tpu.memory_space<vmem>>
    tpu.wait_dma2 semaphore(%arg16 : memref<!tpu.dma_semaphore, #tpu.memory_space<semaphore_mem>>) src(%dma_wait3A_93 : memref<256x128xf32, #tpu.memory_space<vmem>>) dst(%dma_wait3A_89 : memref<256x128xf32, #tpu.memory_space<hbm>>)
    %dma_wait3A_94 = arith.constant 1 : i32
    %dma_wait3A_95 = arith.constant 0 : i32
    %dma_wait3A_96 = arith.constant 0 : i32
    %dma_wait3A_97 = tpu.memref_slice %arg12[%dma_wait3A_94, %dma_wait3A_95, %dma_wait3A_96] : memref<2x256x128xf32, #tpu.memory_space<vmem>> -> memref<1x256x128xf32, #tpu.memory_space<vmem>>
    %dma_wait3A_98 = tpu.memref_squeeze %dma_wait3A_97 : memref<1x256x128xf32, #tpu.memory_space<vmem>> -> memref<256x128xf32, #tpu.memory_space<vmem>>
    %dma_wait3A_99 = arith.constant 0 : i32
    %dma_wait3A_100 = arith.constant 0 : i32
    %dma_wait3A_101 = tpu.memref_slice %arg6[%dma_wait3A_99, %dma_wait3A_100] : memref<819200x128xf32, #tpu.memory_space<hbm>> -> memref<256x128xf32, #tpu.memory_space<hbm>>
    %dma_wait3A_102 = arith.constant 0 : i32
    %dma_wait3A_103 = arith.constant 0 : i32
    %dma_wait3A_104 = tpu.memref_slice %arg6[%dma_wait3A_102, %dma_wait3A_103] : memref<819200x128xf32, #tpu.memory_space<hbm>> -> memref<256x128xf32, #tpu.memory_space<hbm>>
    %dma_wait3A_105 = arith.constant 0 : i32
    %dma_wait3A_106 = arith.constant 0 : i32
    %dma_wait3A_107 = tpu.memref_slice %arg12[%dma_wait3A_94, %dma_wait3A_105, %dma_wait3A_106] : memref<2x256x128xf32, #tpu.memory_space<vmem>> -> memref<1x256x128xf32, #tpu.memory_space<vmem>>
    %dma_wait3A_108 = tpu.memref_squeeze %dma_wait3A_107 : memref<1x256x128xf32, #tpu.memory_space<vmem>> -> memref<256x128xf32, #tpu.memory_space<vmem>>
    tpu.wait_dma2 semaphore(%arg17 : memref<!tpu.dma_semaphore, #tpu.memory_space<semaphore_mem>>) src(%dma_wait3A_108 : memref<256x128xf32, #tpu.memory_space<vmem>>) dst(%dma_wait3A_104 : memref<256x128xf32, #tpu.memory_space<hbm>>)
    return
  }
}

</mosaic_0001>

<sc_bundles>
// kernel: kernel.3.cloned.1.call-start
scs
__scs_entry_jumppad:
0x0: {  	(pc) =	sbr.rel $0x88, $3  }
0x1: {  	(tag) =	ssettag $0x0;
	lr =	simm.s32 $0x1  }
0x2: {  	[smem:$0x3F9D] =	sst lr;
	_ =	strace $0xD0000000  }
0x3: {  	_ = 	snop  }
0x4: {  	_ = 	snop  }
0x5: {  	_ = 	snop  }
0x6: {  	_ = 	snop  }
0x7: {  	_ = 	snop  }
__scs_overlays_trampoline_lowered:
0x8: {  	[smem:$0x3FAC] =	sst s0  }
0x9: {  	[smem:$0x3FAD] =	sst s1  }
0xa: {  	[smem:$0x3FAE] =	sst s2  }
0xb: {  	[smem:$0x3FAF] =	sst s3  }
0xc: {  	[smem:$0x3FB0] =	sst s4  }
0xd: {  	[smem:$0x3FB1] =	sst s5  }
0xe: {  	[smem:$0x3FB2] =	sst s6  }
0xf: {  	[smem:$0x3FB3] =	sst s7  }
0x10: {  	[smem:$0x3FB4] =	sst s8  }
0x11: {  	[smem:$0x3FB5] =	sst s9;
	s0 =	simm.s32 @!p0 $0x0  }
0x12: {  	s1 =	sld [smem:$0x3F9B];
	s0 =	simm.s32 @p0 $0x1  }
0x13: {  	[smem:$0x3FB6] =	sst s0;
	s0 =	simm.s32 @!p1 $0x0  }
0x14: {  	s2 =	sld [smem:$0x3F9A];
	s0 =	simm.s32 @p1 $0x1  }
0x15: {  	[smem:$0x3FB7] =	sst s0;
	s0 =	simm.s32 @!p2 $0x0  }
0x16: {  	s3 =	sld [smem:$0x3FDB];
	s0 =	simm.s32 @p2 $0x1  }
0x17: {  	s4 =	simm.s32 $0x1BF5;
	[smem:$0x3FB9] =	sst s0  }
0x18: {  	s0 =	sld [smem:$0x3F9C];
	_ =	swait.ge [sflag:s4], $0x0  }
0x19: {  	s7 =	sld [smem:$0x3F9D]  }
0x1a: {  	s8 =	sadd.s32 $0xFFFFE003, lr  }
0x1b: {  	s9 =	sadd.s32 $0xFFFFFEF7, lr;
	s5 =	simm.s32 $0xFFFFFFFF;
	p2 =	slt.u32 s8, $0xFFFFF086  }
0x1c: {  	p1 =	slt.u32 s9, $0xF7A;
	s5 =	simm.s32 @!p2 $0x0  }
0x1d: {  	s5 =	simm.s32 @p1 $0x1;
	p0 =	seq.s32 s7, s2  }
0x1e: {  	s7 =	smul.u32 @!p0 $0xF7A, s2;
	p2 =	seq.s32 @!p0 s5, $0x0  }
0x1f: {  	s9 =	smul.u32 $0xF7A, s1;
	s8 =	simm.s32 @!p0 $0x1BF5;
	p2 =	por !p2, p0  }
0x20: {  	[sflag:s8] =	ssyncset.s32 @!p0 $0xFFFFF086;
	s6 =	sadd.s32 @!p0 s3, s7;
	s7 =	simm.s32 @!p0 $0x108  }
0x21: {  	s3 =	sadd.s32 s3, s9;
	s6 =	sadd.s32 @!p0 $0x88, s6;
	s7 =	simm.s32 @p2 $0x1082  }
0x22: {  	[simem:s7], [sflag:s8] =	dma.local @!p0 [hbm:s6], $0xF7A  }
0x23: {  	s9 =	sor.u32 $0xD0000000, s2;
	s6 =	simm.s32 $0x108;
	_ =	swait.ge @!p0 [sflag:s8], $0x0  }
0x24: {  	s3 =	sadd.s32 $0x88, s3;
	s6 =	simm.s32 @!p1 $0x1082;
	[sflag:s4] =	ssyncset.s32 $0xFFFFF086  }
0x25: {  	[simem:s6], [sflag:s4] =	dma.local [hbm:s3], $0xF7A  }
0x26: {  	[smem:$0x3F9D] =	sst s1;
	(tag) =	ssettag s2;
	_ =	strace s9  }
0x27: {  	s1 =	sld [smem:$0x3FAD]  }
0x28: {  	s2 =	sld [smem:$0x3FAE]  }
0x29: {  	s4 =	sld [smem:$0x3FB0]  }
0x2a: {  	p0 =	seq.s32 s5, $0x0;
	s5 =	sld [smem:$0x3FB1]  }
0x2b: {  	s6 =	sld [smem:$0x3FB2]  }
0x2c: {  	s7 =	sld [smem:$0x3FB3]  }
0x2d: {  	s3 =	simm.s32 $0x108;
	s8 =	sld [smem:$0x3FB4]  }
0x2e: {  	s3 =	simm.s32 @!p0 $0x1082;
	s9 =	sld [smem:$0x3FB5]  }
0x2f: {  	lr =	sadd.s32 s0, s3;
	s0 =	sld [smem:$0x3FAC]  }
0x30: {  	s3 =	sld [smem:$0x3FAF]  }
0x31: {  	[smem:$0x3FB8] =	sst s10  }
0x32: {  	s10 =	sld [smem:$0x3FB6];
	_ =	sdelay $0x3  }
0x33: {  	p0 =	seq.s32 s10, $0x1;
	s10 =	sld [smem:$0x3FB8];
	_ =	sdelay $0x3  }
0x34: {  	[smem:$0x3FB8] =	sst s10  }
0x35: {  	s10 =	sld [smem:$0x3FB7];
	_ =	sdelay $0x3  }
0x36: {  	p1 =	seq.s32 s10, $0x1;
	s10 =	sld [smem:$0x3FB8];
	_ =	sdelay $0x3  }
0x37: {  	[smem:$0x3FB8] =	sst s10  }
0x38: {  	s10 =	sld [smem:$0x3FB9]  }
0x39: {  	_ = 	snop;
	(pc) =	sbr.ind lr, $3  }
0x3a: {  	_ = 	snop  }
0x3b: {  	_ = 	snop  }
0x3c: {  	p2 =	seq.s32 s10, $0x1;
	s10 =	sld [smem:$0x3FB8]  }
0x3d: {  	_ =	shalt  }
0x3e: {  	_ =	shalt  }
0x3f: {  	_ =	shalt  }
0x40: {  	_ =	shalt  }
0x41: {  	_ =	shalt  }
0x42: {  	_ =	shalt  }
0x43: {  	_ =	shalt  }
0x44: {  	_ =	shalt  }
0x45: {  	_ =	shalt  }
0x46: {  	_ =	shalt  }
0x47: {  	_ =	shalt  }
0x48: {  	_ =	shalt  }
0x49: {  	_ =	shalt  }
0x4a: {  	_ =	shalt  }
0x4b: {  	_ =	shalt  }
0x4c: {  	_ =	shalt  }
0x4d: {  	_ =	shalt  }
0x4e: {  	_ =	shalt  }
0x4f: {  	_ =	shalt  }
0x50: {  	_ =	shalt  }
0x51: {  	_ =	shalt  }
0x52: {  	_ =	shalt  }
0x53: {  	_ =	shalt  }
0x54: {  	_ =	shalt  }
0x55: {  	_ =	shalt  }
0x56: {  	_ =	shalt  }
0x57: {  	_ =	shalt  }
0x58: {  	_ =	shalt  }
0x59: {  	_ =	shalt  }
0x5a: {  	_ =	shalt  }
0x5b: {  	_ =	shalt  }
0x5c: {  	_ =	shalt  }
0x5d: {  	_ =	shalt  }
0x5e: {  	_ =	shalt  }
0x5f: {  	_ =	shalt  }
0x60: {  	_ =	shalt  }
0x61: {  	_ =	shalt  }
0x62: {  	_ =	shalt  }
0x63: {  	_ =	shalt  }
0x64: {  	_ =	shalt  }
0x65: {  	_ =	shalt  }
0x66: {  	_ =	shalt  }
0x67: {  	_ =	shalt  }
0x68: {  	_ =	shalt  }
0x69: {  	_ =	shalt  }
0x6a: {  	_ =	shalt  }
0x6b: {  	_ =	shalt  }
0x6c: {  	_ =	shalt  }
0x6d: {  	_ =	shalt  }
0x6e: {  	_ =	shalt  }
0x6f: {  	_ =	shalt  }
0x70: {  	_ =	shalt  }
0x71: {  	_ =	shalt  }
0x72: {  	_ =	shalt  }
0x73: {  	_ =	shalt  }
0x74: {  	_ =	shalt  }
0x75: {  	_ =	shalt  }
0x76: {  	_ =	shalt  }
0x77: {  	_ =	shalt  }
0x78: {  	_ =	shalt  }
0x79: {  	_ =	shalt  }
0x7a: {  	_ =	shalt  }
0x7b: {  	_ =	shalt  }
0x7c: {  	_ =	shalt  }
0x7d: {  	_ =	shalt  }
0x7e: {  	_ =	shalt  }
0x7f: {  	_ =	shalt  }
0x80: {  	_ =	shalt  }
0x81: {  	_ =	shalt  }
0x82: {  	_ =	shalt  }
0x83: {  	_ =	shalt  }
0x84: {  	_ =	shalt  }
0x85: {  	_ =	shalt  }
0x86: {  	_ =	shalt  }
0x87: {  	_ =	shalt  }
.Lfunc_end0:
.L_simem_size_0:
called_computation_lowered:
.L_overlay_start_0:
0x88: {  	s2 =	sld [smem:$0x3FD9]  }
0x89: {  	s3 =	sld [smem:$0x3FFE];
	_ =	sdelay $0x1  }
0x8a: {  	s1 =	srdreg.scid  }
0x8b: {  	s0 =	sand.u32 $0x1, s1  }
0x8c: {  	s17 =	sshll.u32 s0, $0xA;
	s2 =	sadd.s32 s3, s2  }
0x8d: {  	s2 =	sadd.s32 s2, s17  }
0x8e: {  	[smem:$0x3FC4] =	sst s2  }
0x8f: {  	_ = 	snop  }
0x90: {  	s2 =	sld [smem:$0x3FD0];
	(tm) =	ssettm $0x1  }
0x91: {  	s18 =	sld [smem:$0x3FFB];
	_ =	sdelay $0x3  }
0x92: {  	_ =	strace s18  }
0x93: {  	s3 =	sld [smem:$0x3FFC];
	_ =	sdelay $0x3  }
0x94: {  	_ =	strace s3  }
0x95: {  	s3 =	sld [smem:$0x3FFD];
	_ =	sdelay $0x3  }
0x96: {  	_ =	strace s3  }
0x97: {  	_ =	strace $0x8FFFFFFF  }
0x98: {  	s19 =	sld [smem:$0x3FDB];
	_ =	sdelay $0x1  }
0x99: {  	s4 =	simm.s32 $_scs_section_size  }
0x9a: {  	s5 =	simm.s32 $_size__tile_overlayer_lowered;
	s6 =	simm.s32 $_tile_overlayer_lowered  }
0x9b: {  	s22 =	simm.s32 $0x1BFF;
	s21 =	sshll.u32 s6, $0x1;
	s3 =	sadd.s32 s4, s19  }
0x9c: {  	s7 =	simm.s32 $0x0;
	s20 =	sshll.u32 s5, $0x1;
	s5 =	sadd.s32 s21, s3  }
0x9d: {  	[timem:s7], [sflag:s22] =	dma.local [hbm:s5], s20  }
0x9e: {  	_ =	swait.ge [sflag:s22], s20  }
0x9f: {  	s4 =	ssub.s32 $0x0, s20;
	[sflag:s22] =	ssyncset.done $0x0  }
0xa0: {  	[sflag:s22] =	ssyncadd.s32 s4;
	_ =	sdelay $0x1  }
0xa1: {  	s23 =	simm.s32 $0x1B8B  }
0xa2: {  	_ =	swait.ge [sflag:s23], $0x1  }
0xa3: {  	[sflag:s23] =	ssyncset.done $0x0  }
0xa4: {  	s25 =	simm.s32 $0x1B8E;
	s24 =	sld [smem:$0x3FFE];
	[sflag:s23] =	ssyncadd.s32 $0xFFFFFFFF  }
0xa5: {  	s26 =	simm.s32 $execute0_lowered;
	[smem:$0x3FD2] =	sst s25  }
0xa6: {  	s5 =	sshll.u32 s26, $0x1;
	_ =	strace $0x80000046;
	[dreg:$0x1] =	wrdreg $0xFFFFFFFF  }
0xa7: {  	s28 =	simm.s32 $_size_execute0_lowered;
	s3 =	sadd.s32 s3, s5;
	[dreg:$0x0] =	wrdreg $0x0  }
0xa8: {  	s5 =	sshll.u32 s28, $0x1;
	[dreg:$0x2] =	wrdreg s3  }
0xa9: {  	[dreg:$0x3] =	wrdreg s5  }
0xaa: {  	[dreg:$0x4] =	wrdreg $0xC0  }
0xab: {  	_ =	task [dreg:s7], $0x5FFFF  }
0xac: {  	[dreg:$0x1] =	wrdreg $0xFFFFFFFF  }
0xad: {  	[dreg:$0x0] =	wrdreg $0x60  }
0xae: {  	[dreg:$0x2] =	wrdreg s24  }
0xaf: {  	[dreg:$0x3] =	wrdreg s2  }
0xb0: {  	[dreg:$0x4] =	wrdreg $0x0  }
0xb1: {  	[dreg:$0x5] =	wrdreg $0x9  }
0xb2: {  	_ =	task.clear_ibuf [dreg:s7], $0x6FFFF;
	_ =	strace $0x90000046  }
0xb3: {  	s29 =	simm.s32 $0x9;
	_ =	strace $0x80000048  }
0xb4: {  	_ =	swait.ge [sflag:s29], $0x1  }
0xb5: {  	[sflag:s29] =	ssyncadd.s32 $0xFFFFFFFF  }
0xb6: {  	_ =	strace $0x90000048  }
0xb7: {  	_ =	sfence  }
0xb8: {  	s30 =	sld [smem:$0x0];
	_ =	sdelay $0x2  }
0xb9: {  	s31 =	sshll.u32 s1, $0xD;
	s1 =	sshrl.u32 s1, $0x2  }
0xba: {  	s3 =	sand.u32 $0x4000, s31;
	s1 =	sadd.s32 s1, s30  }
0xbb: {  	s0 =	sor.u32 s3, s0;
	s1 =	sshll.u32 s1, $0x11  }
0xbc: {  	s0 =	sor.u32 s1, s0  }
0xbd: {  	s0 =	sadd.s32 $0x8F2B, s0  }
0xbe: {  	[sflag:s0] =	ssyncadd.remote.s32 $0x1  }
0xbf: {  	_ =	sfence.sel $0xFFFF  }
0xc0: {  	[dreg:$0x0] =	wrdreg $0xFFFFFFFF;
	(pc) =	sbr.abs _section_cstart, $3  }
0xc1: {  	[dreg:$0x1] =	wrdreg $0xFFFFFFFF  }
0xc2: {  	_ =	task.clear_ibuf [dreg:s7], $0x2FFFF;
	_ =	strace $0x9FFFFFFF  }
0xc3: {  	(tm) =	ssettm $0x7FFFFFFF  }
tec
execute0_lowered:
.L_overlay_start_1:
0x0: {  	(tag) =	ssettag $0x1  }
0x1: {  	s4 =	rddreg [dreg:$0x0]  }
0x2: {  	s10 =	rddreg [dreg:$0x1]  }
0x3: {  	s1 =	rddreg [dreg:$0x2]  }
0x4: {  	s3 =	srdreg.scid;
	s11 =	stileid.u32  }
0x5: {  	s2 =	simm.s32 $0x0;
	s24 =	simm.s32 $0x1D0;
	s25 =	simm.s32 $0x2D0  }
0x6: {  	s12 =	sand.u32 $0x1, s3;
	s26 =	sshll.u32 s11, $0x1;
	s8 =	smul.u32 $0x640000, s11  }
0x7: {  	[smem:$0x7FF] =	sst s2;
	s3 =	sadd.s32 $0x600, s4;
	s9 =	smul.u32 $0xC800, s11  }
0x8: {  	s13 =	sadd.s32 $0x32A00, s4;
	s14 =	sadd.s32 $0x19A00, s4;
	s0 =	smul.u32 $0xC8000, s11  }
0x9: {  	s15 =	sadd.s32 $0xA00, s4;
	p0 =	sne.s32 s11, $0x0;
	s17 =	smul.u32 $0x6400, s12  }
0xa: {  	s5 =	sor.u32 s12, s26;
	_ =	strace $0x80000047;
	s18 =	smul.u32 $0x320000, s12  }
0xb: {  	s28 =	ssub.s32 $0x2, s12;
	s12 =	smul.u32 $0x64000, s12;
	[dreg:$0xa] =	wrdreg s24  }
0xc: {  	s11 =	sshrl.u32 @!p0 s1, $0x3;
	[dreg:$0xb] =	wrdreg s25;
	s26 =	simm.s32 $0x3D0  }
0xd: {  	s24 =	simm.s32 $0x5;
	s25 =	simm.s32 $0x0;
	s6 =	smul.u32 $0x6400, s5  }
0xe: {  	s7 =	smul.u32 $0x320000, s5;
	s29 =	sshrl.u32 s28, $0x1;
	[dreg:$0xc] =	wrdreg s26  }
0xf: {  	s16 =	ssub.s32 s28, s29;
	s17 =	sadd.s32 s17, s9;
	s8 =	sadd.s32 s18, s8  }
0x10: {  	s28 =	simm.s32 $0x4D0;
	s29 =	simm.s32 $0x5D0;
	s6 =	sshrl.u32 s6, $0x3  }
0x11: {  	s7 =	sshrl.u32 s7, $0x3;
	s9 =	sor.u32 $0x200, s17;
	s18 =	sshrl.u32 s8, $0x3  }
0x12: {  	s8 =	smax.u32 s16, $0x1;
	s17 =	sor.u32 $0x100, s17;
	[dreg:$0xd] =	wrdreg s28  }
0x13: {  	[dreg:$0xe] =	wrdreg s29;
	s4 =	sadd.s32 s13, s6;
	s5 =	sadd.s32 s14, s6  }
0x14: {  	s6 =	sadd.s32 s15, s6;
	s7 =	sadd.s32 s10, s7;
	s19 =	sshrl.u32 s9, $0x3  }
0x15: {  	s9 =	sadd.s32 s18, s10;
	s10 =	sadd.s32 s0, s10;
	s16 =	sshrl.u32 s17, $0x3  }
0x16: {  	s17 =	simm.s32 $0x650;
	s18 =	simm.s32 $0x1;
	s30 =	sadd.s32 s19, s15  }
0x17: {  	s7 =	sadd.s32 $0x63000, s7;
	s31 =	sadd.s32 s19, s14;
	[dreg:$0x4] =	wrdreg s30  }
0x18: {  	s20 =	sadd.s32 s19, s13;
	s10 =	sadd.s32 s12, s10;
	[dreg:$0x5] =	wrdreg s31  }
0x19: {  	s21 =	sadd.s32 s16, s15;
	s22 =	sadd.s32 s16, s14;
	[dreg:$0x6] =	wrdreg s20  }
0x1a: {  	s23 =	sadd.s32 s16, s13;
	s13 =	simm.s32 $0x250;
	[dreg:$0x7] =	wrdreg s21  }
0x1b: {  	s14 =	simm.s32 $0x350;
	s15 =	simm.s32 $0x450;
	[dreg:$0x8] =	wrdreg s22  }
0x1c: {  	s16 =	simm.s32 $0x550;
	[dreg:$0x9] =	wrdreg s23;
	s30 =	simm.s32 $0x6D0  }
0x1d: {  	s19 =	simm.s32 $0x80;
	s31 =	simm.s32 $0x850;
	[dreg:$0xf] =	wrdreg s30  }
0x1e: {  	s10 =	sadd.s32 $0xFFFFF000, s10;
	s20 =	simm.s32 $0x8D0;
	[dreg:$0x10] =	wrdreg s31  }
0x1f: {  	s21 =	simm.s32 $0xC950;
	s22 =	simm.s32 $0x950;
	[dreg:$0x11] =	wrdreg s20  }
0x20: {  	s23 =	simm.s32 $0x4;
	s20 =	simm.s32 $0x8950;
	[dreg:$0x12] =	wrdreg s21  }
0x21: {  	v0 =	vimm.s32 $0x0;
	s21 =	simm.s32 $0x2;
	[dreg:$0x13] =	wrdreg s22;
	s22 =	simm.s32 $0x3  }
.LBB2_1:
0x22: {  	s26 =	simm.s32 @!p0 $0x1C06  }
0x23: {  	[spmem:s11], [sflag:s26] =	dma.local @!p0 [hbm:s3], $0x2A0  }
0x24: {  	s26 =	simm.s32 @!p0 $0x6  }
0x25: {  	_ =	swait.ge @!p0 [sflag:s26], $0x2A0  }
0x26: {  	[sflag:s26] =	ssyncset.done @!p0 $0x0  }
0x27: {  	[sflag:s26] =	ssyncadd.s32 @!p0 $0xFFFFFD60  }
0x28: {  	s0 =	simm.s32 $0x150;
	[bflag:$0x0] =	sbarrier.arrive $0xFFFF  }
0x29: {  	[tilespmem:s0], [sflag:$0x1] =	stream.linear.gather [hbm4b:s4+s2], $0x80, $0x38;
	[tilespmem:$0x10950] =	vst v63  }
0x2a: {  	s12 =	sadd.s32 $0x10, s4  }
0x2b: {  	[tilespmem:s13], [sflag:$0x1] =	stream.linear.gather [hbm4b:s12+s2], $0x80, $0x38;
	[tilespmem:$0x10950] =	vst v63  }
0x2c: {  	_ = 	snop  }
0x2d: {  	[tilespmem:s14], [sflag:$0x1] =	stream.linear.gather [hbm4b:s5+s2], $0x80, $0x38;
	[tilespmem:$0x10950] =	vst v63  }
0x2e: {  	s30 =	sadd.s32 $0x10, s5  }
0x2f: {  	[tilespmem:s15], [sflag:$0x1] =	stream.linear.gather [hbm4b:s30+s2], $0x80, $0x38;
	[tilespmem:$0x10950] =	vst v63  }
0x30: {  	s31 =	sadd.s32 $0x10, s6  }
0x31: {  	[tilespmem:s16], [sflag:$0x1] =	stream.linear.gather [hbm4b:s6+s2], $0x80, $0x38;
	[tilespmem:$0x10950] =	vst v63  }
0x32: {  	s28 =	simm.s32 $0x0;
	s29 =	smov.u32 s9;
	s26 =	smov.u32 s10  }
0x33: {  	[tilespmem:s17], [sflag:$0x1] =	stream.linear.gather [hbm4b:s31+s2], $0x80, $0x38;
	[tilespmem:$0x10950] =	vst v63  }
.LBB2_2:
0x34: {  	_ =	swait.ge [sflag:s18], $0x100  }
0x35: {  	[sflag:s18] =	ssyncset.done $0x0  }
0x36: {  	[sflag:s18] =	ssyncadd.s32 $0xFFFFFF00  }
0x37: {  	_ =	swait.ge [sflag:s18], $0x100  }
0x38: {  	[sflag:s18] =	ssyncset.done $0x0  }
0x39: {  	[sflag:s18] =	ssyncadd.s32 $0xFFFFFF00  }
0x3a: {  	_ =	swait.ge [sflag:s18], $0x100  }
0x3b: {  	s30 =	rddreg [dreg:$0x9]  }
0x3c: {  	s31 =	rddreg [dreg:$0xa]  }
0x3d: {  	[sflag:s18] =	ssyncset.done $0x0;
	s0 =	rddreg [dreg:$0x8]  }
0x3e: {  	s12 =	rddreg [dreg:$0xc];
	[sflag:s18] =	ssyncadd.s32 $0xFFFFFF00;
	s30 =	sadd.s32 s28, s30  }
0x3f: {  	[tilespmem:s31], [sflag:$0x1] =	stream.linear.gather [hbm4b:s30+s2], $0x80, $0x38;
	[tilespmem:$0x10950] =	vst v63  }
0x40: {  	s31 =	rddreg [dreg:$0xb];
	s30 =	sadd.s32 $0x10, s30  }
0x41: {  	[tilespmem:s31], [sflag:$0x1] =	stream.linear.gather [hbm4b:s30+s2], $0x80, $0x38;
	[tilespmem:$0x10950] =	vst v63  }
0x42: {  	s0 =	sadd.s32 s28, s0;
	s30 =	rddreg [dreg:$0x7]  }
0x43: {  	[tilespmem:s12], [sflag:$0x1] =	stream.linear.gather [hbm4b:s0+s2], $0x80, $0x38;
	[tilespmem:$0x10950] =	vst v63  }
0x44: {  	s12 =	rddreg [dreg:$0xd];
	s0 =	sadd.s32 $0x10, s0  }
0x45: {  	[tilespmem:s12], [sflag:$0x1] =	stream.linear.gather [hbm4b:s0+s2], $0x80, $0x38;
	[tilespmem:$0x10950] =	vst v63  }
0x46: {  	s31 =	rddreg [dreg:$0xe];
	s12 =	sadd.s32 s28, s30  }
0x47: {  	[tilespmem:s31], [sflag:$0x1] =	stream.linear.gather [hbm4b:s12+s2], $0x80, $0x38;
	[tilespmem:$0x10950] =	vst v63  }
0x48: {  	s30 =	rddreg [dreg:$0xf];
	s0 =	sadd.s32 $0x10, s12  }
0x49: {  	[tilespmem:s30], [sflag:$0x1] =	stream.linear.gather [hbm4b:s0+s2], $0x80, $0x38;
	[tilespmem:$0x10950] =	vst v63  }
0x4a: {  	v1 =	vld [tilespmem:$0x150]  }
0x4b: {  	v2 =	vld [tilespmem:$0x350]  }
0x4c: {  	v3 =	vld [tilespmem:$0x550]  }
0x4d: {  	v4 =	vld [tilespmem:$0x160]  }
0x4e: {  	v5 =	vld [tilespmem:$0x360]  }
0x4f: {  	v6 =	vld [tilespmem:$0x560]  }
0x50: {  	v8 =	vld [tilespmem:$0x370]  }
0x51: {  	v61 =	vld [tilespmem:$0x570]  }
0x52: {  	v62 =	vld [tilespmem:$0x180]  }
0x53: {  	v9 =	vld [tilespmem:$0x380]  }
0x54: {  	v13 =	vld [tilespmem:$0x580]  }
0x55: {  	v14 =	vld [tilespmem:$0x190]  }
0x56: {  	v10 =	vld [tilespmem:$0x390]  }
0x57: {  	v18 =	vld [tilespmem:$0x590]  }
0x58: {  	v11 =	vld [tilespmem:$0x3A0];
	vm0 =	vgt.s32 v1, $0x0;
	vm5 =	vgt.s32 v2, $0x0  }
0x59: {  	v22 =	vld [tilespmem:$0x5A0];
	vm6 =	vgt.s32 v3, $0x0;
	vm7 =	vgt.s32 v4, $0x0;
	vm8 =	vgt.s32 v5, $0x0  }
0x5a: {  	v27 =	vld [tilespmem:$0x5B0];
	vm9 =	vgt.s32 v6, $0x0;
	vm11 =	vgt.s32 v8, $0x0;
	vm12 =	vgt.s32 v61, $0x0  }
0x5b: {  	v28 =	vld [tilespmem:$0x1C0];
	vm13 =	vgt.s32 v62, $0x0;
	vm14 =	vgt.s32 v9, $0x0;
	vm15 =	vgt.s32 v13, $0x0  }
0x5c: {  	v32 =	vld [tilespmem:$0x5C0];
	vm4 =	vgt.s32 v14, $0x0;
	v1 =	vnsel vm0, $0x0, v1;
	v2 =	vnsel vm5, $0x0, v2  }
0x5d: {  	v33 =	vld [tilespmem:$0x250];
	v7 =	vsel vm6, $0x1, v0;
	v60 =	vnsel vm8, $0x0, v5;
	v63 =	vsel vm9, $0x1, v0  }
0x5e: {  	v37 =	vld [tilespmem:$0x650];
	v12 =	vnsel vm11, $0x0, v8;
	v15 =	vsel vm12, $0x1, v0;
	v16 =	vnsel vm13, $0x0, v62  }
0x5f: {  	v42 =	vld [tilespmem:$0x660];
	v17 =	vnsel vm14, $0x0, v9;
	v20 =	vsel vm15, $0x1, v0;
	v5 =	vnsel vm4, $0x0, v14  }
0x60: {  	v47 =	vld [tilespmem:$0x670];
	vm5 =	vgt.s32 v10, $0x0;
	vm6 =	vgt.s32 v18, $0x0;
	vm8 =	vgt.s32 v11, $0x0  }
0x61: {  	v48 =	vld [tilespmem:$0x280];
	vm9 =	vgt.s32 v22, $0x0;
	vm12 =	vgt.s32 v27, $0x0;
	vm13 =	vgt.s32 v28, $0x0  }
0x62: {  	v52 =	vld [tilespmem:$0x680];
	vm15 =	vgt.s32 v32, $0x0;
	vm4 =	vgt.s32 v33, $0x0;
	v1 =	vmin.u32 v1, $0x2  }
0x63: {  	v53 =	vld [tilespmem:$0x290];
	v2 =	vmin.u32 v2, $0x6;
	v6 =	vmin.u32 v17, $0x6;
	v5 =	vmin.u32 v5, $0x2  }
0x64: {  	v21 =	vnsel vm5, $0x0, v10;
	v24 =	vsel vm6, $0x1, v0;
	v26 =	vnsel vm8, $0x0, v11  }
0x65: {  	v29 =	vsel vm9, $0x1, v0;
	v34 =	vsel vm12, $0x1, v0;
	v35 =	vnsel vm13, $0x0, v28  }
0x66: {  	v39 =	vsel vm15, $0x1, v0;
	v40 =	vnsel vm4, $0x0, v33;
	vm6 =	vgt.s32 v37, $0x0  }
0x67: {  	v3 =	vld [tilespmem:$0x170];
	vm9 =	vgt.s32 v42, $0x0;
	vm12 =	vgt.s32 v47, $0x0;
	vm13 =	vgt.s32 v48, $0x0  }
0x68: {  	vm15 =	vgt.s32 v52, $0x0;
	vm4 =	vgt.s32 v53, $0x0;
	v1 =	vmul.u32 $0xE, v1  }
0x69: {  	v57 =	vld [tilespmem:$0x690];
	v2 =	vshll.u32 v2, $0x1;
	v6 =	vshll.u32 v6, $0x1;
	v5 =	vmul.u32 $0xE, v5  }
0x6a: {  	v19 =	vld [tilespmem:$0x1A0];
	v44 =	vsel vm6, $0x1, v0;
	v49 =	vsel vm9, $0x1, v0;
	v54 =	vsel vm12, $0x1, v0  }
0x6b: {  	v13 =	vld [tilespmem:$0x3C0];
	v55 =	vnsel vm13, $0x0, v48;
	v1 =	vadd.s32 v1, v2;
	v2 =	vnsel vm7, $0x0, v4  }
0x6c: {  	v59 =	vsel vm15, $0x1, v0;
	vm10 =	vgt.s32 v3, $0x0;
	v2 =	vmin.u32 v2, $0x2  }
0x6d: {  	v23 =	vld [tilespmem:$0x1B0];
	v4 =	vmin.u32 v60, $0x6;
	v3 =	vnsel vm10, $0x0, v3;
	v2 =	vmul.u32 $0xE, v2  }
0x6e: {  	v38 =	vld [tilespmem:$0x260];
	vm6 =	vgt.s32 v57, $0x0;
	v4 =	vshll.u32 v4, $0x1;
	v3 =	vmin.u32 v3, $0x2  }
0x6f: {  	v14 =	vld [tilespmem:$0x450];
	v3 =	vmul.u32 $0xE, v3;
	v2 =	vadd.s32 v2, v4;
	v4 =	vmin.u32 v12, $0x6  }
0x70: {  	v62 =	vld [tilespmem:$0x6A0];
	vm7 =	vgt.s32 v19, $0x0;
	vm14 =	vgt.s32 v13, $0x0;
	v4 =	vshll.u32 v4, $0x1  }
0x71: {  	v22 =	vld [tilespmem:$0x2C0];
	v60 =	vnsel vm4, $0x0, v53;
	v3 =	vadd.s32 v3, v4;
	v4 =	vmin.u32 v16, $0x2  }
0x72: {  	v1 =	vor.u32 v7, v1;
	v25 =	vnsel vm7, $0x0, v19;
	v4 =	vmul.u32 $0xE, v4  }
0x73: {  	v7 =	vmin.u32 v26, $0x6;
	vm10 =	vgt.s32 v23, $0x0;
	v36 =	vnsel vm14, $0x0, v13;
	v12 =	vld [tilespmem:$0x3B0]  }
0x74: {  	vm5 =	vgt.s32 v14, $0x0;
	v4 =	vadd.s32 v4, v6;
	v6 =	vmin.u32 v21, $0x6  }
0x75: {  	v43 =	vld [tilespmem:$0x270];
	vm7 =	vgt.s32 v38, $0x0;
	vm9 =	vgt.s32 v62, $0x0;
	v6 =	vshll.u32 v6, $0x1  }
0x76: {  	v17 =	vld [tilespmem:$0x480];
	vm13 =	vgt.s32 v22, $0x0;
	v5 =	vadd.s32 v5, v6;
	v6 =	vmin.u32 v25, $0x2  }
0x77: {  	v58 =	vld [tilespmem:$0x2A0];
	v7 =	vshll.u32 v7, $0x1;
	v30 =	vnsel vm10, $0x0, v23;
	v6 =	vmul.u32 $0xE, v6  }
0x78: {  	v18 =	vld [tilespmem:$0x490];
	v9 =	vmin.u32 v36, $0x6;
	v41 =	vnsel vm5, $0x0, v14;
	vm11 =	vgt.s32 v12, $0x0  }
0x79: {  	v31 =	vnsel vm11, $0x0, v12;
	v6 =	vadd.s32 v6, v7;
	v7 =	vmin.u32 v30, $0x2  }
0x7a: {  	v45 =	vnsel vm7, $0x0, v38;
	v8 =	vmin.u32 v31, $0x6;
	v7 =	vmul.u32 $0xE, v7  }
0x7b: {  	vm10 =	vgt.s32 v43, $0x0;
	vm14 =	vgt.s32 v17, $0x0;
	v8 =	vshll.u32 v8, $0x1  }
0x7c: {  	v3 =	vor.u32 v15, v3;
	v15 =	vld [tilespmem:$0x460];
	v7 =	vadd.s32 v7, v8;
	v8 =	vmin.u32 v35, $0x2  }
0x7d: {  	vm5 =	vgt.s32 v18, $0x0;
	vm7 =	vgt.s32 v58, $0x0;
	v8 =	vmul.u32 $0xE, v8  }
0x7e: {  	v9 =	vshll.u32 v9, $0x1;
	v10 =	vmin.u32 v41, $0x6;
	v50 =	vnsel vm10, $0x0, v43  }
0x7f: {  	v56 =	vnsel vm14, $0x0, v17;
	v16 =	vld [tilespmem:$0x470];
	v8 =	vadd.s32 v8, v9;
	v9 =	vmin.u32 v40, $0x2  }
0x80: {  	v61 =	vnsel vm5, $0x0, v18;
	v10 =	vshll.u32 v10, $0x1;
	v9 =	vmul.u32 $0xE, v9  }
0x81: {  	[tilespmem:$0x750] =	vst v1;
	v13 =	vmin.u32 v56, $0x6;
	v1 =	vmin.u32 v61, $0x6;
	vm8 =	vgt.s32 v15, $0x0  }
0x82: {  	v26 =	vld [tilespmem:$0x6C0];
	v46 =	vnsel vm8, $0x0, v15;
	v9 =	vadd.s32 v9, v10;
	v10 =	vmin.u32 v45, $0x2  }
0x83: {  	v23 =	vld [tilespmem:$0x4C0];
	v2 =	vor.u32 v63, v2;
	v11 =	vmin.u32 v46, $0x6;
	v10 =	vmul.u32 $0xE, v10  }
0x84: {  	v13 =	vshll.u32 v13, $0x1;
	vm11 =	vgt.s32 v16, $0x0;
	v11 =	vshll.u32 v11, $0x1  }
0x85: {  	v63 =	vld [tilespmem:$0x2B0];
	v51 =	vnsel vm11, $0x0, v16;
	v10 =	vadd.s32 v10, v11;
	v11 =	vmin.u32 v50, $0x2  }
0x86: {  	v1 =	vshll.u32 v1, $0x1;
	v12 =	vmin.u32 v51, $0x6;
	v11 =	vmul.u32 $0xE, v11  }
0x87: {  	v19 =	vld [tilespmem:$0x4A0];
	[tilespmem:$0x760] =	vst v2;
	v2 =	vsel vm6, $0x1, v0;
	vm15 =	vgt.s32 v26, $0x0;
	v12 =	vshll.u32 v12, $0x1  }
0x88: {  	vm14 =	vgt.s32 v23, $0x0;
	v21 =	vld [tilespmem:$0x6B0];
	v11 =	vadd.s32 v11, v12;
	v12 =	vmin.u32 v55, $0x2  }
0x89: {  	[tilespmem:$0x770] =	vst v3;
	v3 =	vnsel vm7, $0x0, v58;
	v4 =	vor.u32 v20, v4;
	v12 =	vmul.u32 $0xE, v12  }
0x8a: {  	vm10 =	vgt.s32 v63, $0x0;
	[tilespmem:$0x780] =	vst v4;
	v4 =	vnsel vm13, $0x0, v22;
	v5 =	vor.u32 v24, v5  }
0x8b: {  	v24 =	vsel vm9, $0x1, v0;
	v12 =	vadd.s32 v12, v13;
	v13 =	vmin.u32 v60, $0x2  }
0x8c: {  	v20 =	vld [tilespmem:$0x4B0];
	v4 =	vmin.u32 v4, $0x2;
	vm8 =	vgt.s32 v19, $0x0;
	v13 =	vmul.u32 $0xE, v13  }
0x8d: {  	[tilespmem:$0x790] =	vst v5;
	v5 =	vnsel vm14, $0x0, v23;
	v4 =	vmul.u32 $0xE, v4;
	vm12 =	vgt.s32 v21, $0x0  }
0x8e: {  	v6 =	vor.u32 v29, v6;
	v7 =	vor.u32 v34, v7;
	v1 =	vadd.s32 v13, v1  }
0x8f: {  	[tilespmem:$0x7A0] =	vst v6;
	v1 =	vor.u32 v2, v1;
	v2 =	vmin.u32 v3, $0x2;
	v3 =	vnsel vm8, $0x0, v19  }
0x90: {  	[tilespmem:$0x7B0] =	vst v7;
	v8 =	vor.u32 v39, v8;
	v3 =	vmin.u32 v3, $0x6;
	v2 =	vmul.u32 $0xE, v2  }
0x91: {  	vm11 =	vgt.s32 v20, $0x0;
	[tilespmem:$0x7C0] =	vst v8;
	v9 =	vor.u32 v44, v9;
	v3 =	vshll.u32 v3, $0x1  }
0x92: {  	[tilespmem:$0x7D0] =	vst v9;
	v10 =	vor.u32 v49, v10;
	v2 =	vadd.s32 v2, v3;
	v3 =	vnsel vm10, $0x0, v63  }
0x93: {  	v25 =	vnsel vm11, $0x0, v20;
	[tilespmem:$0x7E0] =	vst v10;
	v11 =	vor.u32 v54, v11;
	v3 =	vmin.u32 v3, $0x2  }
0x94: {  	v6 =	vmin.u32 v25, $0x6;
	[tilespmem:$0x7F0] =	vst v11;
	v12 =	vor.u32 v59, v12;
	v3 =	vmul.u32 $0xE, v3  }
0x95: {  	v5 =	vmin.u32 v5, $0x6;
	v27 =	vsel vm12, $0x1, v0;
	v6 =	vshll.u32 v6, $0x1;
	[tilespmem:$0x800] =	vst v12  }
0x96: {  	[tilespmem:$0x810] =	vst v1;
	v2 =	vor.u32 v24, v2;
	v1 =	vadd.s32 v3, v6;
	v3 =	vshll.u32 v5, $0x1  }
0x97: {  	[tilespmem:$0x820] =	vst v2;
	v2 =	vsel vm15, $0x1, v0;
	v1 =	vor.u32 v27, v1;
	v3 =	vadd.s32 v4, v3  }
0x98: {  	p1 =	sne.s32 s28, $0x0;
	[tilespmem:$0x830] =	vst v1;
	v1 =	vor.u32 v2, v3  }
0x99: {  	s0 =	simm.s32 @p1 $0x4;
	[tilespmem:$0x840] =	vst v1  }
0x9a: {  	_ =	swait.ge @p1 [sflag:s0], $0x8000  }
0x9b: {  	s12 =	simm.s32 @p1 $0x750;
	[sflag:s0] =	ssyncset.done @p1 $0x0  }
0x9c: {  	s30 =	simm.s32 @p1 $0x950;
	[sflag:s0] =	ssyncadd.s32 @p1 $0xFFFF8000;
	s0 =	simm.s32 @p1 $0x80  }
0x9d: {  	[tilespmem:s30], [sflag:$0x2] =	stream.indirect.gather @p1 [spmem:s1], $0x80, s12, s0, $0xb8;
	[tilespmem:$0x10950] =	vst v63  }
0x9e: {  	s12 =	simm.s32 @p1 $0x7D0;
	s30 =	simm.s32 @p1 $0x4950  }
0x9f: {  	[tilespmem:s30], [sflag:$0x2] =	stream.indirect.gather @p1 [spmem:s1], $0x80, s12, s0, $0xb8;
	[tilespmem:$0x10950] =	vst v63  }
0xa0: {  	s0 =	simm.s32 @p1 $0x3  }
0xa1: {  	_ =	swait.ge @p1 [sflag:s0], $0x4000  }
0xa2: {  	[sflag:s0] =	ssyncset.done @p1 $0x0  }
0xa3: {  	[sflag:s0] =	ssyncadd.s32 @p1 $0xFFFFC000  }
0xa4: {  	_ =	swait.ge @p1 [sflag:s0], $0x4000  }
0xa5: {  	[sflag:s0] =	ssyncset.done @p1 $0x0  }
0xa6: {  	s12 =	simm.s32 @p1 $0x8950;
	[sflag:s0] =	ssyncadd.s32 @p1 $0xFFFFC000;
	s0 =	simm.s32 @p1 $0x0  }
0xa7: {  	[hbm4b:s26+s0] =	stream.linear.scatter @p1 [tilespmem:s12], [sflag:$0x5], $0x8000, $0x38;
	[tilespmem:$0x10950] =	vst v63  }
0xa8: {  	s30 =	simm.s32 @!p1 $0x950;
	s0 =	simm.s32 @!p1 $0x80;
	s12 =	simm.s32 @!p1 $0x750  }
0xa9: {  	[tilespmem:s30], [sflag:$0x2] =	stream.indirect.gather @!p1 [spmem:s1], $0x80, s12, s0, $0xb8;
	[tilespmem:$0x10950] =	vst v63  }
0xaa: {  	s12 =	simm.s32 @!p1 $0x7D0;
	s30 =	simm.s32 @!p1 $0x4950  }
0xab: {  	[tilespmem:s30], [sflag:$0x2] =	stream.indirect.gather @!p1 [spmem:s1], $0x80, s12, s0, $0xb8;
	[tilespmem:$0x10950] =	vst v63  }
0xac: {  	_ =	swait.ge [sflag:s18], $0x100  }
0xad: {  	[sflag:s18] =	ssyncset.done $0x0  }
0xae: {  	[sflag:s18] =	ssyncadd.s32 $0xFFFFFF00  }
0xaf: {  	_ =	swait.ge [sflag:s18], $0x100  }
0xb0: {  	[sflag:s18] =	ssyncset.done $0x0  }
0xb1: {  	[sflag:s18] =	ssyncadd.s32 $0xFFFFFF00  }
0xb2: {  	p1 =	seq.s32 s28, $0xC40;
	_ =	swait.ge [sflag:s18], $0x100  }
0xb3: {  	s12 =	simm.s32 @!p1 $0x0;
	s0 =	rddreg [dreg:$0x6];
	[sflag:s18] =	ssyncset.done $0x0  }
0xb4: {  	s30 =	simm.s32 @!p1 $0x150;
	[sflag:s18] =	ssyncadd.s32 $0xFFFFFF00;
	s0 =	sadd.s32 @!p1 s28, s0  }
0xb5: {  	[tilespmem:s30], [sflag:$0x1] =	stream.linear.gather @!p1 [hbm4b:s0+s12], $0x80, $0x38;
	[tilespmem:$0x10950] =	vst v63  }
0xb6: {  	s31 =	simm.s32 @!p1 $0x250;
	s30 =	rddreg [dreg:$0x5];
	s0 =	sadd.s32 @!p1 $0x10, s0  }
0xb7: {  	[tilespmem:s31], [sflag:$0x1] =	stream.linear.gather @!p1 [hbm4b:s0+s12], $0x80, $0x38;
	[tilespmem:$0x10950] =	vst v63  }
0xb8: {  	s0 =	sadd.s32 @!p1 s28, s30;
	s30 =	simm.s32 @!p1 $0x350  }
0xb9: {  	[tilespmem:s30], [sflag:$0x1] =	stream.linear.gather @!p1 [hbm4b:s0+s12], $0x80, $0x38;
	[tilespmem:$0x10950] =	vst v63  }
0xba: {  	s31 =	simm.s32 @!p1 $0x450;
	s30 =	rddreg [dreg:$0x4];
	s0 =	sadd.s32 @!p1 $0x10, s0  }
0xbb: {  	[tilespmem:s31], [sflag:$0x1] =	stream.linear.gather @!p1 [hbm4b:s0+s12], $0x80, $0x38;
	[tilespmem:$0x10950] =	vst v63  }
0xbc: {  	s0 =	sadd.s32 @!p1 s28, s30;
	s30 =	simm.s32 @!p1 $0x550  }
0xbd: {  	[tilespmem:s30], [sflag:$0x1] =	stream.linear.gather @!p1 [hbm4b:s0+s12], $0x80, $0x38;
	[tilespmem:$0x10950] =	vst v63  }
0xbe: {  	s0 =	sadd.s32 @!p1 $0x10, s0;
	s30 =	simm.s32 @!p1 $0x650  }
0xbf: {  	[tilespmem:s30], [sflag:$0x1] =	stream.linear.gather @!p1 [hbm4b:s0+s12], $0x80, $0x38;
	[tilespmem:$0x10950] =	vst v63  }
0xc0: {  	v1 =	vld [tilespmem:$0x1D0]  }
0xc1: {  	v2 =	vld [tilespmem:$0x3D0]  }
0xc2: {  	v3 =	vld [tilespmem:$0x5D0]  }
0xc3: {  	v28 =	vld [tilespmem:$0x1E0]  }
0xc4: {  	v29 =	vld [tilespmem:$0x3E0]  }
0xc5: {  	v30 =	vld [tilespmem:$0x5E0]  }
0xc6: {  	v32 =	vld [tilespmem:$0x3F0]  }
0xc7: {  	v34 =	vld [tilespmem:$0x5F0]  }
0xc8: {  	v35 =	vld [tilespmem:$0x200]  }
0xc9: {  	v37 =	vld [tilespmem:$0x400]  }
0xca: {  	v39 =	vld [tilespmem:$0x600]  }
0xcb: {  	v40 =	vld [tilespmem:$0x210]  }
0xcc: {  	v42 =	vld [tilespmem:$0x410]  }
0xcd: {  	v45 =	vld [tilespmem:$0x610]  }
0xce: {  	v48 =	vld [tilespmem:$0x420]  }
0xcf: {  	v50 =	vld [tilespmem:$0x620];
	vm4 =	vgt.s32 v1, $0x0;
	vm5 =	vgt.s32 v2, $0x0  }
0xd0: {  	v53 =	vld [tilespmem:$0x430];
	vm6 =	vgt.s32 v3, $0x0;
	vm7 =	vgt.s32 v28, $0x0;
	vm8 =	vgt.s32 v29, $0x0  }
0xd1: {  	v56 =	vld [tilespmem:$0x630];
	vm9 =	vgt.s32 v30, $0x0;
	vm11 =	vgt.s32 v32, $0x0;
	vm12 =	vgt.s32 v34, $0x0  }
0xd2: {  	v57 =	vld [tilespmem:$0x240];
	vm13 =	vgt.s32 v35, $0x0;
	vm14 =	vgt.s32 v37, $0x0;
	vm15 =	vgt.s32 v39, $0x0  }
0xd3: {  	v59 =	vld [tilespmem:$0x440];
	v1 =	vnsel vm4, $0x0, v1;
	v2 =	vnsel vm5, $0x0, v2;
	v31 =	vsel vm6, $0x1, v0  }
0xd4: {  	v62 =	vld [tilespmem:$0x640];
	v33 =	vnsel vm8, $0x0, v29;
	v36 =	vsel vm9, $0x1, v0;
	v38 =	vnsel vm11, $0x0, v32  }
0xd5: {  	v41 =	vsel vm12, $0x1, v0;
	v43 =	vnsel vm13, $0x0, v35;
	v44 =	vnsel vm14, $0x0, v37  }
0xd6: {  	v47 =	vsel vm15, $0x1, v0;
	vm4 =	vgt.s32 v40, $0x0;
	vm5 =	vgt.s32 v42, $0x0  }
0xd7: {  	v63 =	vld [tilespmem:$0x2D0];
	vm6 =	vgt.s32 v45, $0x0;
	vm8 =	vgt.s32 v48, $0x0;
	vm9 =	vgt.s32 v50, $0x0  }
0xd8: {  	v19 =	vld [tilespmem:$0x4D0];
	vm11 =	vgt.s32 v53, $0x0;
	vm12 =	vgt.s32 v56, $0x0;
	vm13 =	vgt.s32 v57, $0x0  }
0xd9: {  	v22 =	vld [tilespmem:$0x6D0];
	vm14 =	vgt.s32 v59, $0x0;
	vm15 =	vgt.s32 v62, $0x0;
	v1 =	vmin.u32 v1, $0x2  }
0xda: {  	v25 =	vld [tilespmem:$0x4E0];
	v2 =	vmin.u32 v2, $0x6;
	v4 =	vmin.u32 v33, $0x6;
	v6 =	vmin.u32 v44, $0x6  }
0xdb: {  	v5 =	vnsel vm4, $0x0, v40;
	v49 =	vnsel vm5, $0x0, v42;
	v52 =	vsel vm6, $0x1, v0  }
0xdc: {  	v55 =	vnsel vm8, $0x0, v48;
	v58 =	vsel vm9, $0x1, v0;
	v61 =	vnsel vm11, $0x0, v53  }
0xdd: {  	v18 =	vsel vm12, $0x1, v0;
	v20 =	vnsel vm13, $0x0, v57;
	v21 =	vnsel vm14, $0x0, v59  }
0xde: {  	v3 =	vld [tilespmem:$0x1F0];
	v24 =	vsel vm15, $0x1, v0;
	vm4 =	vgt.s32 v63, $0x0;
	vm5 =	vgt.s32 v19, $0x0  }
0xdf: {  	vm6 =	vgt.s32 v22, $0x0;
	vm8 =	vgt.s32 v25, $0x0;
	v1 =	vmul.u32 $0xE, v1  }
0xe0: {  	v2 =	vshll.u32 v2, $0x1;
	v4 =	vshll.u32 v4, $0x1;
	v6 =	vshll.u32 v6, $0x1  }
0xe1: {  	v5 =	vmin.u32 v5, $0x2;
	v7 =	vmin.u32 v55, $0x6;
	v8 =	vmin.u32 v61, $0x6  }
0xe2: {  	v9 =	vmin.u32 v21, $0x6;
	v1 =	vadd.s32 v1, v2;
	v2 =	vnsel vm7, $0x0, v28  }
0xe3: {  	v26 =	vnsel vm4, $0x0, v63;
	vm10 =	vgt.s32 v3, $0x0;
	v2 =	vmin.u32 v2, $0x2  }
0xe4: {  	v27 =	vnsel vm5, $0x0, v19;
	v3 =	vnsel vm10, $0x0, v3;
	v2 =	vmul.u32 $0xE, v2  }
0xe5: {  	v46 =	vld [tilespmem:$0x220];
	v30 =	vsel vm6, $0x1, v0;
	v33 =	vnsel vm8, $0x0, v25;
	v3 =	vmin.u32 v3, $0x2  }
0xe6: {  	v3 =	vmul.u32 $0xE, v3;
	v2 =	vadd.s32 v2, v4;
	v4 =	vmin.u32 v38, $0x6  }
0xe7: {  	v34 =	vld [tilespmem:$0x6F0];
	v5 =	vmul.u32 $0xE, v5;
	v7 =	vshll.u32 v7, $0x1;
	v4 =	vshll.u32 v4, $0x1  }
0xe8: {  	v51 =	vld [tilespmem:$0x230];
	v8 =	vshll.u32 v8, $0x1;
	v3 =	vadd.s32 v3, v4;
	v4 =	vmin.u32 v43, $0x2  }
0xe9: {  	v23 =	vld [tilespmem:$0x2E0];
	v9 =	vshll.u32 v9, $0x1;
	v10 =	vmin.u32 v27, $0x6;
	v4 =	vmul.u32 $0xE, v4  }
0xea: {  	v35 =	vld [tilespmem:$0x300];
	v11 =	vmin.u32 v33, $0x6;
	vm7 =	vgt.s32 v46, $0x0;
	v10 =	vshll.u32 v10, $0x1  }
0xeb: {  	v37 =	vld [tilespmem:$0x500];
	v11 =	vshll.u32 v11, $0x1;
	v4 =	vadd.s32 v4, v6;
	v6 =	vmin.u32 v49, $0x6  }
0xec: {  	v29 =	vld [tilespmem:$0x2F0];
	vm12 =	vgt.s32 v34, $0x0;
	v54 =	vnsel vm7, $0x0, v46;
	v6 =	vshll.u32 v6, $0x1  }
0xed: {  	v40 =	vld [tilespmem:$0x700];
	v1 =	vor.u32 v31, v1;
	v5 =	vadd.s32 v5, v6;
	v6 =	vmin.u32 v54, $0x2  }
0xee: {  	v56 =	vld [tilespmem:$0x540];
	vm10 =	vgt.s32 v51, $0x0;
	vm7 =	vgt.s32 v23, $0x0;
	v6 =	vmul.u32 $0xE, v6  }
0xef: {  	v42 =	vsel vm12, $0x1, v0;
	vm13 =	vgt.s32 v35, $0x0;
	v60 =	vnsel vm10, $0x0, v51  }
0xf0: {  	v55 =	vld [tilespmem:$0x340];
	vm14 =	vgt.s32 v37, $0x0;
	v6 =	vadd.s32 v6, v7;
	v7 =	vmin.u32 v60, $0x2  }
0xf1: {  	v53 =	vld [tilespmem:$0x330];
	v32 =	vnsel vm7, $0x0, v23;
	vm10 =	vgt.s32 v29, $0x0;
	v7 =	vmul.u32 $0xE, v7  }
0xf2: {  	v28 =	vld [tilespmem:$0x6E0];
	v44 =	vnsel vm13, $0x0, v35;
	v45 =	vnsel vm14, $0x0, v37;
	vm15 =	vgt.s32 v40, $0x0  }
0xf3: {  	vm13 =	vgt.s32 v56, $0x0;
	v7 =	vadd.s32 v7, v8;
	v8 =	vmin.u32 v20, $0x2  }
0xf4: {  	v31 =	vld [tilespmem:$0x4F0];
	v13 =	vmin.u32 v45, $0x6;
	v48 =	vsel vm15, $0x1, v0;
	v8 =	vmul.u32 $0xE, v8  }
0xf5: {  	v46 =	vld [tilespmem:$0x710];
	vm12 =	vgt.s32 v55, $0x0;
	v38 =	vnsel vm10, $0x0, v29;
	v13 =	vshll.u32 v13, $0x1  }
0xf6: {  	vm10 =	vgt.s32 v53, $0x0;
	v8 =	vadd.s32 v8, v9;
	v9 =	vmin.u32 v26, $0x2  }
0xf7: {  	v61 =	vnsel vm12, $0x0, v55;
	vm9 =	vgt.s32 v28, $0x0;
	v9 =	vmul.u32 $0xE, v9  }
0xf8: {  	v2 =	vor.u32 v36, v2;
	v62 =	vmin.u32 v61, $0x2;
	v36 =	vsel vm9, $0x1, v0  }
0xf9: {  	vm11 =	vgt.s32 v31, $0x0;
	v43 =	vld [tilespmem:$0x510];
	v9 =	vadd.s32 v9, v10;
	v10 =	vmin.u32 v32, $0x2  }
0xfa: {  	vm6 =	vgt.s32 v46, $0x0;
	v3 =	vor.u32 v41, v3;
	v41 =	vld [tilespmem:$0x310];
	v10 =	vmul.u32 $0xE, v10  }
0xfb: {  	[tilespmem:$0x860] =	vst v2;
	v63 =	vmul.u32 $0xE, v62;
	v39 =	vnsel vm11, $0x0, v31;
	v2 =	vsel vm6, $0x1, v0  }
0xfc: {  	v12 =	vmin.u32 v39, $0x6;
	v10 =	vadd.s32 v10, v11;
	v11 =	vmin.u32 v38, $0x2  }
0xfd: {  	v12 =	vshll.u32 v12, $0x1;
	v49 =	vld [tilespmem:$0x520];
	v4 =	vor.u32 v47, v4;
	v11 =	vmul.u32 $0xE, v11  }
0xfe: {  	v47 =	vld [tilespmem:$0x320];
	vm5 =	vgt.s32 v43, $0x0;
	[tilespmem:$0x880] =	vst v4;
	v4 =	vnsel vm13, $0x0, v56;
	v5 =	vor.u32 v52, v5  }
0xff: {  	v54 =	vld [tilespmem:$0x530];
	vm4 =	vgt.s32 v41, $0x0;
	v11 =	vadd.s32 v11, v12;
	v12 =	vmin.u32 v44, $0x2  }
0x100: {  	v51 =	vnsel vm5, $0x0, v43;
	v52 =	vld [tilespmem:$0x720];
	v4 =	vmin.u32 v4, $0x6;
	v12 =	vmul.u32 $0xE, v12  }
0x101: {  	[tilespmem:$0x850] =	vst v1;
	v50 =	vnsel vm4, $0x0, v41;
	v1 =	vmin.u32 v51, $0x6;
	v4 =	vshll.u32 v4, $0x1  }
0x102: {  	v1 =	vshll.u32 v1, $0x1;
	v12 =	vadd.s32 v12, v13;
	v13 =	vmin.u32 v50, $0x2  }
0x103: {  	vm8 =	vgt.s32 v49, $0x0;
	vm7 =	vgt.s32 v47, $0x0;
	v13 =	vmul.u32 $0xE, v13  }
0x104: {  	[tilespmem:$0x870] =	vst v3;
	v6 =	vor.u32 v58, v6;
	v3 =	vnsel vm7, $0x0, v47;
	vm11 =	vgt.s32 v54, $0x0  }
0x105: {  	[tilespmem:$0x890] =	vst v5;
	vm9 =	vgt.s32 v52, $0x0;
	v7 =	vor.u32 v18, v7;
	v1 =	vadd.s32 v13, v1  }
0x106: {  	v60 =	vld [tilespmem:$0x740];
	[tilespmem:$0x8A0] =	vst v6;
	v1 =	vor.u32 v2, v1;
	v2 =	vmin.u32 v3, $0x2;
	v3 =	vnsel vm8, $0x0, v49  }
0x107: {  	v58 =	vld [tilespmem:$0x730];
	[tilespmem:$0x8B0] =	vst v7;
	v8 =	vor.u32 v24, v8;
	v3 =	vmin.u32 v3, $0x6;
	v2 =	vmul.u32 $0xE, v2  }
0x108: {  	v59 =	vnsel vm11, $0x0, v54;
	[tilespmem:$0x8C0] =	vst v8;
	v9 =	vor.u32 v30, v9;
	v3 =	vshll.u32 v3, $0x1  }
0x109: {  	[tilespmem:$0x8D0] =	vst v9;
	v10 =	vor.u32 v36, v10;
	v2 =	vadd.s32 v2, v3;
	v3 =	vnsel vm10, $0x0, v53  }
0x10a: {  	v57 =	vsel vm9, $0x1, v0;
	[tilespmem:$0x8E0] =	vst v10;
	v11 =	vor.u32 v42, v11;
	v3 =	vmin.u32 v3, $0x2  }
0x10b: {  	v5 =	vmin.u32 v59, $0x6;
	[tilespmem:$0x8F0] =	vst v11;
	v12 =	vor.u32 v48, v12;
	v3 =	vmul.u32 $0xE, v3  }
0x10c: {  	v5 =	vshll.u32 v5, $0x1;
	vm15 =	vgt.s32 v60, $0x0;
	vm14 =	vgt.s32 v58, $0x0;
	[tilespmem:$0x900] =	vst v12  }
0x10d: {  	[tilespmem:$0x910] =	vst v1;
	v1 =	vsel vm14, $0x1, v0;
	v2 =	vor.u32 v57, v2;
	v3 =	vadd.s32 v3, v5  }
0x10e: {  	[tilespmem:$0x920] =	vst v2;
	v2 =	vadd.s32 v63, v4;
	v1 =	vor.u32 v1, v3;
	v3 =	vsel vm15, $0x1, v0  }
0x10f: {  	p1 =	seq.s32 s28, $0x0;
	[tilespmem:$0x930] =	vst v1;
	v1 =	vor.u32 v3, v2  }
0x110: {  	s0 =	simm.s32 @!p1 $0x5;
	[tilespmem:$0x940] =	vst v1  }
0x111: {  	_ =	swait.ge @!p1 [sflag:s0], $0x8000  }
0x112: {  	s12 =	rddreg [dreg:$0x10];
	[sflag:s0] =	ssyncset.done @!p1 $0x0  }
0x113: {  	s30 =	rddreg [dreg:$0x11];
	[sflag:s0] =	ssyncadd.s32 @!p1 $0xFFFF8000  }
0x114: {  	[tilespmem:s20], [sflag:$0x3] =	stream.indirect.gather [spmem:s1], $0x80, s12, s19, $0xb8;
	[tilespmem:$0x10950] =	vst v63  }
0x115: {  	s31 =	rddreg [dreg:$0x12]  }
0x116: {  	[tilespmem:s31], [sflag:$0x3] =	stream.indirect.gather [spmem:s1], $0x80, s30, s19, $0xb8;
	[tilespmem:$0x10950] =	vst v63  }
0x117: {  	_ =	swait.ge [sflag:s21], $0x4000  }
0x118: {  	s28 =	sadd.s32 $0x40, s28;
	[sflag:s21] =	ssyncset.done $0x0  }
0x119: {  	p1 =	sne.s32 s28, $0xC80;
	[sflag:s21] =	ssyncadd.s32 $0xFFFFC000  }
.Ltmp0:
0x11a: {  	_ =	swait.ge [sflag:s21], $0x4000;
	(pc) =	sbr.rel @p1 .LBB2_2-.Ltmp0, $4  }
0x11b: {  	[sflag:s21] =	ssyncset.done $0x0  }
0x11c: {  	s31 =	rddreg [dreg:$0x13];
	[sflag:s21] =	ssyncadd.s32 $0xFFFFC000  }
0x11d: {  	[hbm4b:s29+s2] =	stream.linear.scatter [tilespmem:s31], [sflag:$0x4], $0x8000, $0x38;
	[tilespmem:$0x10950] =	vst v63  }
0x11e: {  	s26 =	sadd.s32 $0x2000, s26;
	s29 =	sadd.s32 $0x2000, s29  }
0x11f: {  	_ =	swait.ge [sflag:s22], $0x4000  }
0x120: {  	[sflag:s22] =	ssyncset.done $0x0  }
0x121: {  	[sflag:s22] =	ssyncadd.s32 $0xFFFFC000  }
0x122: {  	_ =	swait.ge [sflag:s22], $0x4000  }
0x123: {  	[sflag:s22] =	ssyncset.done $0x0  }
0x124: {  	s25 =	sadd.s32 $0x1, s25;
	[sflag:s22] =	ssyncadd.s32 $0xFFFFC000  }
0x125: {  	[hbm4b:s7+s2] =	stream.linear.scatter [tilespmem:s20], [sflag:$0x5], $0x8000, $0x38;
	[tilespmem:$0x10950] =	vst v63  }
0x126: {  	p1 =	sne.s32 s25, s8;
	_ =	swait.ge [sflag:s23], $0x8000  }
.Ltmp1:
0x127: {  	[sflag:s23] =	ssyncset.done $0x0;
	(pc) =	sbr.rel @p1 .LBB2_1-.Ltmp1, $4  }
0x128: {  	[sflag:s23] =	ssyncadd.s32 $0xFFFF8000  }
0x129: {  	_ =	swait.ge [sflag:s24], $0x8000  }
0x12a: {  	[sflag:s24] =	ssyncset.done $0x0  }
0x12b: {  	[sflag:s24] =	ssyncadd.s32 $0xFFFF8000  }
0x12c: {  	_ =	sfence.sel $0x180000  }
0x12d: {  	[bflag:$0x0] =	sbarrier.arrive $0xFFFF  }
0x12e: {  	_ =	strace $0x90000047  }
0x12f: {  	[bflag:$0x2] =	sbarrier.arrive $0xFFFF  }
0x130: {  	s0 =	rddreg [dreg:$0x3]  }
0x131: {  	s0 =	sadd.s32 @!p0 $0x100000, s0  }
0x132: {  	[sflag:s0] =	ssyncadd.tile.s32 @!p0 $0x1;
	_ =	shalt  }
.Lfunc_end2:
_tile_overlayer_lowered:
.L_overlay_start_2:
0x133: {  	(tag) =	ssettag $0x2  }
0x134: {  	s0 =	rddreg [dreg:$0x0];
	s2 =	stileid.u32  }
0x135: {  	s1 =	rddreg [dreg:$0x1];
	p0 =	sne.s32 s2, $0x0  }
0x136: {  	s3 =	rddreg [dreg:$0x2];
	[bflag:$0x3] =	sbarrier.arrive $0xFFFF;
	s2 =	simm.s32 @!p0 $0x1C06  }
0x137: {  	[timem:s3], [sflag:s2] =	dma.local @!p0 [hbm:s0], s1  }
0x138: {  	s0 =	simm.s32 @!p0 $0x6  }
0x139: {  	_ =	swait.ge @!p0 [sflag:s0], s1  }
0x13a: {  	s1 =	ssub.s32 @!p0 $0x0, s1;
	[sflag:s0] =	ssyncset.done @!p0 $0x0  }
0x13b: {  	[sflag:s0] =	ssyncadd.s32 @!p0 s1  }
0x13c: {  	[bflag:$0x3] =	sbarrier.arrive $0xFFFF  }
0x13d: {  	_ =	shalt  }

</sc_bundles>
